<compile_context>
chip_gen: v7x
topology: tpu7x:2x2x1
jax: 0.10.2.dev20260603
libtpu: 0.0.44.dev20260713+nightly
codegen_flags: <defaults>
</compile_context>

<pallas_src>
import functools

import jax
import jax.numpy as jnp
from jax import lax
from jax.experimental import pallas as pl
from jax.experimental.pallas import tpu as pltpu
from jax.experimental.pallas import tpu_sc as plsc

N = 10000
E = 320000
D = 128
H = 64
O = 32
BN_EPS = 1e-5

NC, NS = 2, 16
NW = NC * NS
CH = 125
K = E // (NW * CH)
RPW = N // NS
CB = 1000
RB = 2048
GRID = (N + RB - 1) // RB


def _make_seg_sum(width: int, with_cnt: bool, nb: int):
  mesh = plsc.VectorSubcoreMesh(core_axis_name="c", subcore_axis_name="s")
  out_type = [jax.ShapeDtypeStruct((NC, N, width), jnp.float32)]
  if with_cnt:
    out_type.append(jax.ShapeDtypeStruct((NC, N), jnp.float32))
  scratch = [
      pltpu.VMEM((K, CH), jnp.int32),
      pltpu.VMEM((K, CH), jnp.int32),
  ] + [pltpu.VMEM((CH, width), jnp.float32) for _ in range(nb)]
  if with_cnt:
    scratch += [
        pltpu.VMEM((CH,), jnp.float32),
        pltpu.VMEM((CB,), jnp.float32),
    ]
  scratch += [
      pltpu.VMEM_SHARED((N, width), jnp.float32),
      pltpu.VMEM_SHARED((N, width), jnp.float32),
  ]
  if with_cnt:
    scratch += [pltpu.VMEM_SHARED((N,), jnp.float32)]
  scratch += [pltpu.SemaphoreType.DMA for _ in range(2 * nb)]

  def body(table, edges, ones, zrows, zvec, *rest):
    if with_cnt:
      (parts, cnts, src_v, dst_v, *rest2) = rest
      rows = tuple(rest2[:nb])
      ones_v, zv_v, acc, tbl_sh, cacc = rest2[nb:nb + 5]
      sems = rest2[nb + 5:]
    else:
      (parts, src_v, dst_v, *rest2) = rest
      cnts = None
      rows = tuple(rest2[:nb])
      acc, tbl_sh = rest2[nb:nb + 2]
      ones_v = zv_v = cacc = None
      sems = rest2[nb + 2:]
    gsems = tuple(sems[:nb])
    ssems = tuple(sems[nb:2 * nb])
    rows0 = rows[0]
    sid = lax.axis_index("s")
    cid = lax.axis_index("c")
    wid = sid * NC + cid
    r0 = sid * RPW

    pltpu.sync_copy(zrows, rows0)
    if with_cnt:
      pltpu.sync_copy(zvec, zv_v)
    for t in range(RPW // CH):
      base = r0 + t * CH
      pltpu.sync_copy(rows0, acc.at[pl.ds(base, CH)])
    if with_cnt:
      @pl.when(sid < N // CB)
      def _zero_cnt():
        pltpu.sync_copy(zv_v, cacc.at[pl.ds(sid * CB, CB)])
      pltpu.sync_copy(ones, ones_v)
    pltpu.sync_copy(edges.at[0, wid], src_v)
    pltpu.sync_copy(edges.at[1, wid], dst_v)
    pltpu.sync_copy(table.at[pl.ds(r0, RPW)], tbl_sh.at[pl.ds(r0, RPW)])
    plsc.subcore_barrier()

    pltpu.async_copy(tbl_sh.at[src_v.at[0]], rows[0], gsems[0])
    pltpu.async_copy(tbl_sh.at[src_v.at[1]], rows[1], gsems[1])

    @pl.loop(0, K, step=nb)
    def _edge_ring(j):
      for b in range(nb):
        jj = j + b
        b2 = (b + 2) % nb
        pltpu.make_async_copy(tbl_sh.at[src_v.at[jj]], rows[b], gsems[b]).wait()
        pltpu.async_copy(rows[b], acc.at[dst_v.at[jj]], ssems[b], add=True)
        if with_cnt:
          pltpu.async_copy(ones_v, cacc.at[dst_v.at[jj]], ssems[b], add=True)

        @pl.when(jj + 2 < K)
        def _prefetch():
          prev = jj + 2 - nb

          @pl.when(prev >= 0)
          def _drain_scatter():
            pltpu.make_async_copy(
                rows[b2], acc.at[dst_v.at[prev]], ssems[b2]).wait()
            if with_cnt:
              pltpu.make_async_copy(
                  ones_v, cacc.at[dst_v.at[prev]], ssems[b2]).wait()
          pltpu.async_copy(tbl_sh.at[src_v.at[jj + 2]], rows[b2], gsems[b2])

    for c in range(K - nb, K):
      b = c % nb
      pltpu.make_async_copy(rows[b], acc.at[dst_v.at[c]], ssems[b]).wait()
      if with_cnt:
        pltpu.make_async_copy(ones_v, cacc.at[dst_v.at[c]], ssems[b]).wait()

    plsc.subcore_barrier()

    for t in range(RPW // CH):
      base = r0 + t * CH
      pltpu.sync_copy(acc.at[pl.ds(base, CH)], rows0)
      pltpu.sync_copy(rows0, parts.at[cid, pl.ds(base, CH)])
    if with_cnt:
      @pl.when(sid < N // CB)
      def _write_cnt():
        pltpu.sync_copy(cacc.at[pl.ds(sid * CB, CB)], zv_v)
        pltpu.sync_copy(zv_v, cnts.at[cid, pl.ds(sid * CB, CB)])

  return pl.kernel(body, out_type=tuple(out_type), mesh=mesh,
                   scratch_types=scratch,
                   compiler_params=pltpu.CompilerParams(
                       use_tc_tiling_on_sc=False))


_seg_sum_cnt = _make_seg_sum(H, with_cnt=True, nb=2)
_seg_sum_o = _make_seg_sum(O, with_cnt=False, nb=2)


def _tc_matmul(x2, w2):
  def body(x_ref, w_ref, o_ref):
    o_ref[...] = jnp.dot(x_ref[...], w_ref[...],
                         preferred_element_type=jnp.float32)

  return pl.pallas_call(
      body,
      grid=(GRID,),
      in_specs=[
          pl.BlockSpec((RB // 2, 2 * D), lambda i: (i, 0)),
          pl.BlockSpec((2 * D, 128), lambda i: (0, 0)),
      ],
      out_specs=pl.BlockSpec((RB // 2, 128), lambda i: (i, 0)),
      out_shape=jax.ShapeDtypeStruct((N * H // 128, 128), jnp.float32),
  )(x2, w2)


NDH = N * H // 128
RBD2 = RB // 2
ND = N * O // 128
RBD = RB * O // 128


def _tc_mid(parts0d, cntb0, r0d, alpha2, bb2, w2):
  def body(pp_ref, cb_ref, r0_ref, al_ref, bb_ref, w_ref, o_ref):
    agg = pp_ref[0] + pp_ref[1]
    h = jnp.maximum(
        (agg / cb_ref[...] + r0_ref[...]) * al_ref[...] + bb_ref[...], 0.0)
    o_ref[...] = jnp.dot(h, w_ref[...], preferred_element_type=jnp.float32)

  return pl.pallas_call(
      body,
      grid=(GRID,),
      in_specs=[
          pl.BlockSpec((NC, RBD2, 128), lambda i: (0, i, 0)),
          pl.BlockSpec((RBD2, 128), lambda i: (i, 0)),
          pl.BlockSpec((RBD2, 128), lambda i: (i, 0)),
          pl.BlockSpec((1, 128), lambda i: (0, 0)),
          pl.BlockSpec((1, 128), lambda i: (0, 0)),
          pl.BlockSpec((128, 2 * O), lambda i: (0, 0)),
      ],
      out_specs=pl.BlockSpec((RBD2, 2 * O), lambda i: (i, 0)),
      out_shape=jax.ShapeDtypeStruct((NDH, 2 * O), jnp.float32),
  )(parts0d, cntb0, r0d, alpha2, bb2, w2)


def _tc_final(parts1r, cntb, r1d, b1t):
  def body(pp_ref, cb_ref, r1_ref, b1_ref, out_ref):
    agg = pp_ref[0] + pp_ref[1]
    out_ref[...] = agg / cb_ref[...] + r1_ref[...] + b1_ref[...]

  return pl.pallas_call(
      body,
      grid=(GRID,),
      in_specs=[
          pl.BlockSpec((NC, RBD, 128), lambda i: (0, i, 0)),
          pl.BlockSpec((RBD, 128), lambda i: (i, 0)),
          pl.BlockSpec((RBD, 128), lambda i: (i, 0)),
          pl.BlockSpec((1, 128), lambda i: (0, 0)),
      ],
      out_specs=pl.BlockSpec((RBD, 128), lambda i: (i, 0)),
      out_shape=jax.ShapeDtypeStruct((ND, 128), jnp.float32),
  )(parts1r, cntb, r1d, b1t)


def kernel(x, edge_index, Wl0, Wr0, b0, gamma0, beta0, Wl1, Wr1, b1):
  f32 = jnp.float32
  edges = edge_index.reshape(2, NW, K, CH)
  ones = jnp.ones((CH,), f32)
  zvec = jnp.zeros((CB,), f32)
  zrows_h = jnp.zeros((CH, H), f32)
  zrows_o = jnp.zeros((CH, O), f32)

  x2 = x.reshape(N // 2, 2 * D)
  zd = jnp.zeros((D, H), jnp.float32)
  w0l = jnp.concatenate(
      [jnp.concatenate([Wl0, zd], 1), jnp.concatenate([zd, Wl0], 1)], 0)
  w0r = jnp.concatenate(
      [jnp.concatenate([Wr0, zd], 1), jnp.concatenate([zd, Wr0], 1)], 0)
  p0d = _tc_matmul(x2, w0l)
  parts0, cntp = _seg_sum_cnt(p0d.reshape(N, H), edges, ones, zrows_h, zvec)
  r0d = _tc_matmul(x2, w0r)

  scale = 1.0 / jnp.sqrt(jnp.float32(1.0) + BN_EPS)
  alpha = (gamma0 * scale).reshape(1, H)
  bb = (b0 * gamma0 * scale + beta0).reshape(1, H)

  cntc = jnp.maximum(cntp[0] + cntp[1], 1.0)
  cntb0 = jnp.repeat(cntc, H).reshape(NDH, 128)
  parts0d = parts0.reshape(NC, NDH, 128)
  alpha2 = jnp.tile(alpha, (1, 2))
  bb2 = jnp.tile(bb, (1, 2))
  z = jnp.zeros((H, O), jnp.float32)
  w2l = jnp.concatenate(
      [jnp.concatenate([Wl1, z], 1), jnp.concatenate([z, Wl1], 1)], 0)
  w2r = jnp.concatenate(
      [jnp.concatenate([Wr1, z], 1), jnp.concatenate([z, Wr1], 1)], 0)

  p1 = _tc_mid(parts0d, cntb0, r0d, alpha2, bb2, w2l)
  (parts1,) = _seg_sum_o(p1.reshape(N, O), edges, ones, zrows_o, zvec)
  r1 = _tc_mid(parts0d, cntb0, r0d, alpha2, bb2, w2r)
  cntb = jnp.repeat(cntc, O).reshape(ND, 128)
  parts1r = parts1.reshape(NC, ND, 128)
  r1d = r1.reshape(ND, 128)
  b1t = jnp.tile(b1.reshape(1, O), (1, 128 // O))
  out = _tc_final(parts1r, cntb, r1d, b1t)
  return out.reshape(N, O)

# --- scband reference (transcript-rebuilt; emitter-appended) ---
"""Pipeline reference for scband-yelp-gnn-13391708029328 (READ-ONLY COPY).

The authoritative reference and input builder live on the scoring server;
editing this copy changes nothing except your own understanding.
"""

import jax, jax.numpy as jnp
import numpy as np

N = 10000
E = 320000
D = 128
H = 64
O = 32
BN_EPS = 1e-5


def setup_inputs(seed: int = 0) -> dict:
    key = jax.random.key(seed)
    ks = jax.random.split(key, 12)
    x = jax.random.normal(ks[0], (N, D), dtype=jnp.float32)
    edge_index = jax.random.randint(ks[1], (2, E), 0, N, dtype=jnp.int32)
    # SAGEConv layer 0: in=D, out=H. out = mean_aggr(x_j) @ W_l + x @ W_r + b
    Wl0 = jax.random.normal(ks[2], (D, H), dtype=jnp.float32) * (1.0 / np.sqrt(D))
    Wr0 = jax.random.normal(ks[3], (D, H), dtype=jnp.float32) * (1.0 / np.sqrt(D))
    b0 = jnp.zeros((H,), dtype=jnp.float32)
    # BatchNorm1d(H) params (eval mode, running stats are fresh: mean=0, var=1)
    gamma0 = jnp.ones((H,), dtype=jnp.float32)
    beta0 = jnp.zeros((H,), dtype=jnp.float32)
    # SAGEConv layer 1: in=H, out=O
    Wl1 = jax.random.normal(ks[4], (H, O), dtype=jnp.float32) * (1.0 / np.sqrt(H))
    Wr1 = jax.random.normal(ks[5], (H, O), dtype=jnp.float32) * (1.0 / np.sqrt(H))
    b1 = jnp.zeros((O,), dtype=jnp.float32)
    return {"x": x, "edge_index": edge_index, "Wl0": Wl0, "Wr0": Wr0, "b0": b0,
            "gamma0": gamma0, "beta0": beta0, "Wl1": Wl1, "Wr1": Wr1, "b1": b1}


def _sage_conv(x, edge_index, Wl, Wr, b):
    # PyG SAGEConv with mean aggregation: messages flow src -> dst
    src = edge_index[0]
    dst = edge_index[1]
    msg = jnp.take(x, src, axis=0)                      # gather [E, d]
    agg_sum = jax.ops.segment_sum(msg, dst, num_segments=N)   # scatter-add
    cnt = jax.ops.segment_sum(jnp.ones((msg.shape[0],), dtype=x.dtype), dst, num_segments=N)
    mean = agg_sum / jnp.clip(cnt, 1.0, None)[:, None]
    return mean @ Wl + x @ Wr + b


def _batch_norm_eval(h, gamma, beta):
    running_mean = jnp.zeros((h.shape[-1],), dtype=h.dtype)
    running_var = jnp.ones((h.shape[-1],), dtype=h.dtype)
    return (h - running_mean) / jnp.sqrt(running_var + BN_EPS) * gamma + beta


def reference(x, edge_index, Wl0, Wr0, b0, gamma0, beta0, Wl1, Wr1, b1):
    # Layer 0: SAGEConv(D->H) -> BN -> ReLU -> (dropout is identity in eval)
    h = _sage_conv(x, edge_index, Wl0, Wr0, b0)
    h = _batch_norm_eval(h, gamma0, beta0)
    h = jax.nn.relu(h)
    # Layer 1: SAGEConv(H->O); residual skipped since dims differ (H=64 vs O=32); no BN at last layer
    out = _sage_conv(h, edge_index, Wl1, Wr1, b1)
    return out

if __name__ == "__main__":
    import jax
    _d = setup_inputs()
    print(jax.jit(kernel)(*tuple(_d.values())))

</pallas_src>

<mosaic_0001>
#map = affine_map<(d0, d1) -> (0, 0)>
#map1 = affine_map<(d0, d1) -> (0, 0, 0, 0)>
#map2 = affine_map<(d0, d1) -> (0)>
#map3 = affine_map<(d0, d1) -> (0, 0, 0)>
module attributes {stable_mosaic.version = 14 : i64} {
  func.func @body(%arg0: i32, %arg1: i32, %arg2: memref<10000x32xf32, #tpu.memory_space<hbm>>, %arg3: memref<2x32x80x125xi32, #tpu.memory_space<hbm>>, %arg4: memref<125xf32, #tpu.memory_space<hbm>>, %arg5: memref<125x32xf32, #tpu.memory_space<hbm>>, %arg6: memref<1000xf32, #tpu.memory_space<hbm>>, %arg7: memref<2x10000x32xf32, #tpu.memory_space<hbm>>, %arg8: memref<80x125xi32, #tpu.memory_space<vmem>>, %arg9: memref<80x125xi32, #tpu.memory_space<vmem>>, %arg10: memref<125x32xf32, #tpu.memory_space<vmem>>, %arg11: memref<125x32xf32, #tpu.memory_space<vmem>>, %arg12: memref<10000x32xf32, #tpu.memory_space<vmem_shared>>, %arg13: memref<10000x32xf32, #tpu.memory_space<vmem_shared>>, %arg14: memref<!tpu.dma_semaphore, #tpu.memory_space<semaphore_mem>>, %arg15: memref<!tpu.dma_semaphore, #tpu.memory_space<semaphore_mem>>, %arg16: memref<!tpu.dma_semaphore, #tpu.memory_space<semaphore_mem>>, %arg17: memref<!tpu.dma_semaphore, #tpu.memory_space<semaphore_mem>>) attributes {dimension_semantics = [#tpu.dimension_semantics<core_parallel>, #tpu.dimension_semantics<subcore_parallel>], iteration_bounds = array<i64: 2, 16>, scalar_prefetch = 0 : i64, scratch_operands = 10 : i64, tpu.core_type = #tpu.core_type<sc_vector_subcore>, window_params = [{transform_indices = #map}, {transform_indices = #map1}, {transform_indices = #map2}, {transform_indices = #map}, {transform_indices = #map2}, {transform_indices = #map3}]} {
    %mul3A = arith.constant 2 : i32
    %mul3A_0 = arith.muli %arg1, %mul3A : i32
    %add3A = arith.addi %mul3A_0, %arg0 : i32
    %mul3A_1 = arith.constant 625 : i32
    %mul3A_2 = arith.muli %arg1, %mul3A_1 : i32
    "tpu.region"() ({
      %run_scoped3A_55 = tpu.sem_alloc : memref<!tpu.dma_semaphore, #tpu.memory_space<semaphore_mem>>
      tpu.enqueue_dma source(%arg5 : memref<125x32xf32, #tpu.memory_space<hbm>>) target(%arg10 : memref<125x32xf32, #tpu.memory_space<vmem>>) target_semaphore(%run_scoped3A_55 : memref<!tpu.dma_semaphore, #tpu.memory_space<semaphore_mem>>)
      tpu.wait_dma2 semaphore(%run_scoped3A_55 : memref<!tpu.dma_semaphore, #tpu.memory_space<semaphore_mem>>) src(%arg5 : memref<125x32xf32, #tpu.memory_space<hbm>>) dst(%arg10 : memref<125x32xf32, #tpu.memory_space<vmem>>)
      tpu.yield
    }) : () -> ()
    %add3A_3 = arith.constant 0 : i32
    %add3A_4 = arith.addi %mul3A_2, %add3A_3 : i32
    "tpu.region"() ({
      %run_scoped3A_55 = tpu.sem_alloc : memref<!tpu.dma_semaphore, #tpu.memory_space<semaphore_mem>>
      %dma_start3A_56 = arith.constant 0 : i32
      %dma_start3A_57 = tpu.memref_slice %arg12[%add3A_4, %dma_start3A_56] : memref<10000x32xf32, #tpu.memory_space<vmem_shared>> -> memref<125x32xf32, #tpu.memory_space<vmem_shared>>
      %dma_start3A_58 = arith.constant 0 : i32
      %dma_start3A_59 = tpu.memref_slice %arg12[%add3A_4, %dma_start3A_58] : memref<10000x32xf32, #tpu.memory_space<vmem_shared>> -> memref<125x32xf32, #tpu.memory_space<vmem_shared>>
      tpu.enqueue_dma source(%arg10 : memref<125x32xf32, #tpu.memory_space<vmem>>) target(%dma_start3A_59 : memref<125x32xf32, #tpu.memory_space<vmem_shared>>) target_semaphore(%run_scoped3A_55 : memref<!tpu.dma_semaphore, #tpu.memory_space<semaphore_mem>>)
      %dma_wait3A_60 = arith.constant 0 : i32
      %dma_wait3A_61 = tpu.memref_slice %arg12[%add3A_4, %dma_wait3A_60] : memref<10000x32xf32, #tpu.memory_space<vmem_shared>> -> memref<125x32xf32, #tpu.memory_space<vmem_shared>>
      %dma_wait3A_62 = arith.constant 0 : i32
      %dma_wait3A_63 = tpu.memref_slice %arg12[%add3A_4, %dma_wait3A_62] : memref<10000x32xf32, #tpu.memory_space<vmem_shared>> -> memref<125x32xf32, #tpu.memory_space<vmem_shared>>
      tpu.wait_dma2 semaphore(%run_scoped3A_55 : memref<!tpu.dma_semaphore, #tpu.memory_space<semaphore_mem>>) src(%arg10 : memref<125x32xf32, #tpu.memory_space<vmem>>) dst(%dma_wait3A_63 : memref<125x32xf32, #tpu.memory_space<vmem_shared>>)
      tpu.yield
    }) : () -> ()
    %add3A_5 = arith.constant 125 : i32
    %add3A_6 = arith.addi %mul3A_2, %add3A_5 : i32
    "tpu.region"() ({
      %run_scoped3A_55 = tpu.sem_alloc : memref<!tpu.dma_semaphore, #tpu.memory_space<semaphore_mem>>
      %dma_start3A_56 = arith.constant 0 : i32
      %dma_start3A_57 = tpu.memref_slice %arg12[%add3A_6, %dma_start3A_56] : memref<10000x32xf32, #tpu.memory_space<vmem_shared>> -> memref<125x32xf32, #tpu.memory_space<vmem_shared>>
      %dma_start3A_58 = arith.constant 0 : i32
      %dma_start3A_59 = tpu.memref_slice %arg12[%add3A_6, %dma_start3A_58] : memref<10000x32xf32, #tpu.memory_space<vmem_shared>> -> memref<125x32xf32, #tpu.memory_space<vmem_shared>>
      tpu.enqueue_dma source(%arg10 : memref<125x32xf32, #tpu.memory_space<vmem>>) target(%dma_start3A_59 : memref<125x32xf32, #tpu.memory_space<vmem_shared>>) target_semaphore(%run_scoped3A_55 : memref<!tpu.dma_semaphore, #tpu.memory_space<semaphore_mem>>)
      %dma_wait3A_60 = arith.constant 0 : i32
      %dma_wait3A_61 = tpu.memref_slice %arg12[%add3A_6, %dma_wait3A_60] : memref<10000x32xf32, #tpu.memory_space<vmem_shared>> -> memref<125x32xf32, #tpu.memory_space<vmem_shared>>
      %dma_wait3A_62 = arith.constant 0 : i32
      %dma_wait3A_63 = tpu.memref_slice %arg12[%add3A_6, %dma_wait3A_62] : memref<10000x32xf32, #tpu.memory_space<vmem_shared>> -> memref<125x32xf32, #tpu.memory_space<vmem_shared>>
      tpu.wait_dma2 semaphore(%run_scoped3A_55 : memref<!tpu.dma_semaphore, #tpu.memory_space<semaphore_mem>>) src(%arg10 : memref<125x32xf32, #tpu.memory_space<vmem>>) dst(%dma_wait3A_63 : memref<125x32xf32, #tpu.memory_space<vmem_shared>>)
      tpu.yield
    }) : () -> ()
    %add3A_7 = arith.constant 250 : i32
    %add3A_8 = arith.addi %mul3A_2, %add3A_7 : i32
    "tpu.region"() ({
      %run_scoped3A_55 = tpu.sem_alloc : memref<!tpu.dma_semaphore, #tpu.memory_space<semaphore_mem>>
      %dma_start3A_56 = arith.constant 0 : i32
      %dma_start3A_57 = tpu.memref_slice %arg12[%add3A_8, %dma_start3A_56] : memref<10000x32xf32, #tpu.memory_space<vmem_shared>> -> memref<125x32xf32, #tpu.memory_space<vmem_shared>>
      %dma_start3A_58 = arith.constant 0 : i32
      %dma_start3A_59 = tpu.memref_slice %arg12[%add3A_8, %dma_start3A_58] : memref<10000x32xf32, #tpu.memory_space<vmem_shared>> -> memref<125x32xf32, #tpu.memory_space<vmem_shared>>
      tpu.enqueue_dma source(%arg10 : memref<125x32xf32, #tpu.memory_space<vmem>>) target(%dma_start3A_59 : memref<125x32xf32, #tpu.memory_space<vmem_shared>>) target_semaphore(%run_scoped3A_55 : memref<!tpu.dma_semaphore, #tpu.memory_space<semaphore_mem>>)
      %dma_wait3A_60 = arith.constant 0 : i32
      %dma_wait3A_61 = tpu.memref_slice %arg12[%add3A_8, %dma_wait3A_60] : memref<10000x32xf32, #tpu.memory_space<vmem_shared>> -> memref<125x32xf32, #tpu.memory_space<vmem_shared>>
      %dma_wait3A_62 = arith.constant 0 : i32
      %dma_wait3A_63 = tpu.memref_slice %arg12[%add3A_8, %dma_wait3A_62] : memref<10000x32xf32, #tpu.memory_space<vmem_shared>> -> memref<125x32xf32, #tpu.memory_space<vmem_shared>>
      tpu.wait_dma2 semaphore(%run_scoped3A_55 : memref<!tpu.dma_semaphore, #tpu.memory_space<semaphore_mem>>) src(%arg10 : memref<125x32xf32, #tpu.memory_space<vmem>>) dst(%dma_wait3A_63 : memref<125x32xf32, #tpu.memory_space<vmem_shared>>)
      tpu.yield
    }) : () -> ()
    %add3A_9 = arith.constant 375 : i32
    %add3A_10 = arith.addi %mul3A_2, %add3A_9 : i32
    "tpu.region"() ({
      %run_scoped3A_55 = tpu.sem_alloc : memref<!tpu.dma_semaphore, #tpu.memory_space<semaphore_mem>>
      %dma_start3A_56 = arith.constant 0 : i32
      %dma_start3A_57 = tpu.memref_slice %arg12[%add3A_10, %dma_start3A_56] : memref<10000x32xf32, #tpu.memory_space<vmem_shared>> -> memref<125x32xf32, #tpu.memory_space<vmem_shared>>
      %dma_start3A_58 = arith.constant 0 : i32
      %dma_start3A_59 = tpu.memref_slice %arg12[%add3A_10, %dma_start3A_58] : memref<10000x32xf32, #tpu.memory_space<vmem_shared>> -> memref<125x32xf32, #tpu.memory_space<vmem_shared>>
      tpu.enqueue_dma source(%arg10 : memref<125x32xf32, #tpu.memory_space<vmem>>) target(%dma_start3A_59 : memref<125x32xf32, #tpu.memory_space<vmem_shared>>) target_semaphore(%run_scoped3A_55 : memref<!tpu.dma_semaphore, #tpu.memory_space<semaphore_mem>>)
      %dma_wait3A_60 = arith.constant 0 : i32
      %dma_wait3A_61 = tpu.memref_slice %arg12[%add3A_10, %dma_wait3A_60] : memref<10000x32xf32, #tpu.memory_space<vmem_shared>> -> memref<125x32xf32, #tpu.memory_space<vmem_shared>>
      %dma_wait3A_62 = arith.constant 0 : i32
      %dma_wait3A_63 = tpu.memref_slice %arg12[%add3A_10, %dma_wait3A_62] : memref<10000x32xf32, #tpu.memory_space<vmem_shared>> -> memref<125x32xf32, #tpu.memory_space<vmem_shared>>
      tpu.wait_dma2 semaphore(%run_scoped3A_55 : memref<!tpu.dma_semaphore, #tpu.memory_space<semaphore_mem>>) src(%arg10 : memref<125x32xf32, #tpu.memory_space<vmem>>) dst(%dma_wait3A_63 : memref<125x32xf32, #tpu.memory_space<vmem_shared>>)
      tpu.yield
    }) : () -> ()
    %add3A_11 = arith.constant 500 : i32
    %add3A_12 = arith.addi %mul3A_2, %add3A_11 : i32
    "tpu.region"() ({
      %run_scoped3A_55 = tpu.sem_alloc : memref<!tpu.dma_semaphore, #tpu.memory_space<semaphore_mem>>
      %dma_start3A_56 = arith.constant 0 : i32
      %dma_start3A_57 = tpu.memref_slice %arg12[%add3A_12, %dma_start3A_56] : memref<10000x32xf32, #tpu.memory_space<vmem_shared>> -> memref<125x32xf32, #tpu.memory_space<vmem_shared>>
      %dma_start3A_58 = arith.constant 0 : i32
      %dma_start3A_59 = tpu.memref_slice %arg12[%add3A_12, %dma_start3A_58] : memref<10000x32xf32, #tpu.memory_space<vmem_shared>> -> memref<125x32xf32, #tpu.memory_space<vmem_shared>>
      tpu.enqueue_dma source(%arg10 : memref<125x32xf32, #tpu.memory_space<vmem>>) target(%dma_start3A_59 : memref<125x32xf32, #tpu.memory_space<vmem_shared>>) target_semaphore(%run_scoped3A_55 : memref<!tpu.dma_semaphore, #tpu.memory_space<semaphore_mem>>)
      %dma_wait3A_60 = arith.constant 0 : i32
      %dma_wait3A_61 = tpu.memref_slice %arg12[%add3A_12, %dma_wait3A_60] : memref<10000x32xf32, #tpu.memory_space<vmem_shared>> -> memref<125x32xf32, #tpu.memory_space<vmem_shared>>
      %dma_wait3A_62 = arith.constant 0 : i32
      %dma_wait3A_63 = tpu.memref_slice %arg12[%add3A_12, %dma_wait3A_62] : memref<10000x32xf32, #tpu.memory_space<vmem_shared>> -> memref<125x32xf32, #tpu.memory_space<vmem_shared>>
      tpu.wait_dma2 semaphore(%run_scoped3A_55 : memref<!tpu.dma_semaphore, #tpu.memory_space<semaphore_mem>>) src(%arg10 : memref<125x32xf32, #tpu.memory_space<vmem>>) dst(%dma_wait3A_63 : memref<125x32xf32, #tpu.memory_space<vmem_shared>>)
      tpu.yield
    }) : () -> ()
    %run_scoped3A = arith.constant 0 : i32
    "tpu.region"() ({
      %run_scoped3A_55 = tpu.sem_alloc : memref<!tpu.dma_semaphore, #tpu.memory_space<semaphore_mem>>
      %dma_start3A_56 = arith.constant 0 : i32
      %dma_start3A_57 = arith.constant 0 : i32
      %dma_start3A_58 = tpu.memref_slice %arg3[%run_scoped3A, %add3A, %dma_start3A_56, %dma_start3A_57] : memref<2x32x80x125xi32, #tpu.memory_space<hbm>> -> memref<1x1x80x125xi32, #tpu.memory_space<hbm>>
      %dma_start3A_59 = tpu.memref_squeeze %dma_start3A_58 : memref<1x1x80x125xi32, #tpu.memory_space<hbm>> -> memref<80x125xi32, #tpu.memory_space<hbm>>
      %dma_start3A_60 = arith.constant 0 : i32
      %dma_start3A_61 = arith.constant 0 : i32
      %dma_start3A_62 = tpu.memref_slice %arg3[%run_scoped3A, %add3A, %dma_start3A_60, %dma_start3A_61] : memref<2x32x80x125xi32, #tpu.memory_space<hbm>> -> memref<1x1x80x125xi32, #tpu.memory_space<hbm>>
      %dma_start3A_63 = tpu.memref_squeeze %dma_start3A_62 : memref<1x1x80x125xi32, #tpu.memory_space<hbm>> -> memref<80x125xi32, #tpu.memory_space<hbm>>
      tpu.enqueue_dma source(%dma_start3A_63 : memref<80x125xi32, #tpu.memory_space<hbm>>) target(%arg8 : memref<80x125xi32, #tpu.memory_space<vmem>>) target_semaphore(%run_scoped3A_55 : memref<!tpu.dma_semaphore, #tpu.memory_space<semaphore_mem>>)
      %dma_wait3A_64 = arith.constant 0 : i32
      %dma_wait3A_65 = arith.constant 0 : i32
      %dma_wait3A_66 = tpu.memref_slice %arg3[%run_scoped3A, %add3A, %dma_wait3A_64, %dma_wait3A_65] : memref<2x32x80x125xi32, #tpu.memory_space<hbm>> -> memref<1x1x80x125xi32, #tpu.memory_space<hbm>>
      %dma_wait3A_67 = tpu.memref_squeeze %dma_wait3A_66 : memref<1x1x80x125xi32, #tpu.memory_space<hbm>> -> memref<80x125xi32, #tpu.memory_space<hbm>>
      %dma_wait3A_68 = arith.constant 0 : i32
      %dma_wait3A_69 = arith.constant 0 : i32
      %dma_wait3A_70 = tpu.memref_slice %arg3[%run_scoped3A, %add3A, %dma_wait3A_68, %dma_wait3A_69] : memref<2x32x80x125xi32, #tpu.memory_space<hbm>> -> memref<1x1x80x125xi32, #tpu.memory_space<hbm>>
      %dma_wait3A_71 = tpu.memref_squeeze %dma_wait3A_70 : memref<1x1x80x125xi32, #tpu.memory_space<hbm>> -> memref<80x125xi32, #tpu.memory_space<hbm>>
      tpu.wait_dma2 semaphore(%run_scoped3A_55 : memref<!tpu.dma_semaphore, #tpu.memory_space<semaphore_mem>>) src(%dma_wait3A_71 : memref<80x125xi32, #tpu.memory_space<hbm>>) dst(%arg8 : memref<80x125xi32, #tpu.memory_space<vmem>>)
      tpu.yield
    }) : () -> ()
    %run_scoped3A_13 = arith.constant 1 : i32
    "tpu.region"() ({
      %run_scoped3A_55 = tpu.sem_alloc : memref<!tpu.dma_semaphore, #tpu.memory_space<semaphore_mem>>
      %dma_start3A_56 = arith.constant 0 : i32
      %dma_start3A_57 = arith.constant 0 : i32
      %dma_start3A_58 = tpu.memref_slice %arg3[%run_scoped3A_13, %add3A, %dma_start3A_56, %dma_start3A_57] : memref<2x32x80x125xi32, #tpu.memory_space<hbm>> -> memref<1x1x80x125xi32, #tpu.memory_space<hbm>>
      %dma_start3A_59 = tpu.memref_squeeze %dma_start3A_58 : memref<1x1x80x125xi32, #tpu.memory_space<hbm>> -> memref<80x125xi32, #tpu.memory_space<hbm>>
      %dma_start3A_60 = arith.constant 0 : i32
      %dma_start3A_61 = arith.constant 0 : i32
      %dma_start3A_62 = tpu.memref_slice %arg3[%run_scoped3A_13, %add3A, %dma_start3A_60, %dma_start3A_61] : memref<2x32x80x125xi32, #tpu.memory_space<hbm>> -> memref<1x1x80x125xi32, #tpu.memory_space<hbm>>
      %dma_start3A_63 = tpu.memref_squeeze %dma_start3A_62 : memref<1x1x80x125xi32, #tpu.memory_space<hbm>> -> memref<80x125xi32, #tpu.memory_space<hbm>>
      tpu.enqueue_dma source(%dma_start3A_63 : memref<80x125xi32, #tpu.memory_space<hbm>>) target(%arg9 : memref<80x125xi32, #tpu.memory_space<vmem>>) target_semaphore(%run_scoped3A_55 : memref<!tpu.dma_semaphore, #tpu.memory_space<semaphore_mem>>)
      %dma_wait3A_64 = arith.constant 0 : i32
      %dma_wait3A_65 = arith.constant 0 : i32
      %dma_wait3A_66 = tpu.memref_slice %arg3[%run_scoped3A_13, %add3A, %dma_wait3A_64, %dma_wait3A_65] : memref<2x32x80x125xi32, #tpu.memory_space<hbm>> -> memref<1x1x80x125xi32, #tpu.memory_space<hbm>>
      %dma_wait3A_67 = tpu.memref_squeeze %dma_wait3A_66 : memref<1x1x80x125xi32, #tpu.memory_space<hbm>> -> memref<80x125xi32, #tpu.memory_space<hbm>>
      %dma_wait3A_68 = arith.constant 0 : i32
      %dma_wait3A_69 = arith.constant 0 : i32
      %dma_wait3A_70 = tpu.memref_slice %arg3[%run_scoped3A_13, %add3A, %dma_wait3A_68, %dma_wait3A_69] : memref<2x32x80x125xi32, #tpu.memory_space<hbm>> -> memref<1x1x80x125xi32, #tpu.memory_space<hbm>>
      %dma_wait3A_71 = tpu.memref_squeeze %dma_wait3A_70 : memref<1x1x80x125xi32, #tpu.memory_space<hbm>> -> memref<80x125xi32, #tpu.memory_space<hbm>>
      tpu.wait_dma2 semaphore(%run_scoped3A_55 : memref<!tpu.dma_semaphore, #tpu.memory_space<semaphore_mem>>) src(%dma_wait3A_71 : memref<80x125xi32, #tpu.memory_space<hbm>>) dst(%arg9 : memref<80x125xi32, #tpu.memory_space<vmem>>)
      tpu.yield
    }) : () -> ()
    "tpu.region"() ({
      %run_scoped3A_55 = tpu.sem_alloc : memref<!tpu.dma_semaphore, #tpu.memory_space<semaphore_mem>>
      %dma_start3A_56 = arith.constant 0 : i32
      %dma_start3A_57 = tpu.memref_slice %arg13[%mul3A_2, %dma_start3A_56] : memref<10000x32xf32, #tpu.memory_space<vmem_shared>> -> memref<625x32xf32, #tpu.memory_space<vmem_shared>>
      %dma_start3A_58 = arith.constant 0 : i32
      %dma_start3A_59 = tpu.memref_slice %arg2[%mul3A_2, %dma_start3A_58] : memref<10000x32xf32, #tpu.memory_space<hbm>> -> memref<625x32xf32, #tpu.memory_space<hbm>>
      tpu.enqueue_dma source(%dma_start3A_59 : memref<625x32xf32, #tpu.memory_space<hbm>>) target(%dma_start3A_57 : memref<625x32xf32, #tpu.memory_space<vmem_shared>>) target_semaphore(%run_scoped3A_55 : memref<!tpu.dma_semaphore, #tpu.memory_space<semaphore_mem>>)
      %dma_wait3A_60 = arith.constant 0 : i32
      %dma_wait3A_61 = tpu.memref_slice %arg13[%mul3A_2, %dma_wait3A_60] : memref<10000x32xf32, #tpu.memory_space<vmem_shared>> -> memref<625x32xf32, #tpu.memory_space<vmem_shared>>
      %dma_wait3A_62 = arith.constant 0 : i32
      %dma_wait3A_63 = tpu.memref_slice %arg2[%mul3A_2, %dma_wait3A_62] : memref<10000x32xf32, #tpu.memory_space<hbm>> -> memref<625x32xf32, #tpu.memory_space<hbm>>
      tpu.wait_dma2 semaphore(%run_scoped3A_55 : memref<!tpu.dma_semaphore, #tpu.memory_space<semaphore_mem>>) src(%dma_wait3A_63 : memref<625x32xf32, #tpu.memory_space<hbm>>) dst(%dma_wait3A_61 : memref<625x32xf32, #tpu.memory_space<vmem_shared>>)
      tpu.yield
    }) : () -> ()
    %barrier3A = arith.constant 0 : index
    tpu.barrier barrier_id(%barrier3A)
    %dma_start3A = arith.constant 0 : i32
    %dma_start3A_14 = arith.constant 0 : i32
    %dma_start3A_15 = tpu.memref_slice %arg8[%dma_start3A, %dma_start3A_14] : memref<80x125xi32, #tpu.memory_space<vmem>> -> memref<1x125xi32, #tpu.memory_space<vmem>>
    %dma_start3A_16 = tpu.memref_squeeze %dma_start3A_15 : memref<1x125xi32, #tpu.memory_space<vmem>> -> memref<125xi32, #tpu.memory_space<vmem>>
    %dma_start3A_17 = arith.constant 0 : i32
    %dma_start3A_18 = arith.constant 0 : i32
    %dma_start3A_19 = tpu.memref_slice %arg13[%dma_start3A_17, %dma_start3A_18] : memref<10000x32xf32, #tpu.memory_space<vmem_shared>> -> memref<10000x32xf32, #tpu.memory_space<vmem_shared>>
    tpu.enqueue_indirect_dma source(%dma_start3A_19 : memref<10000x32xf32, #tpu.memory_space<vmem_shared>>) target(%arg10 : memref<125x32xf32, #tpu.memory_space<vmem>>) offsets(%dma_start3A_16 : memref<125xi32, #tpu.memory_space<vmem>>) semaphore(%arg14 : memref<!tpu.dma_semaphore, #tpu.memory_space<semaphore_mem>>)
    %dma_start3A_20 = arith.constant 1 : i32
    %dma_start3A_21 = arith.constant 0 : i32
    %dma_start3A_22 = tpu.memref_slice %arg8[%dma_start3A_20, %dma_start3A_21] : memref<80x125xi32, #tpu.memory_space<vmem>> -> memref<1x125xi32, #tpu.memory_space<vmem>>
    %dma_start3A_23 = tpu.memref_squeeze %dma_start3A_22 : memref<1x125xi32, #tpu.memory_space<vmem>> -> memref<125xi32, #tpu.memory_space<vmem>>
    %dma_start3A_24 = arith.constant 0 : i32
    %dma_start3A_25 = arith.constant 0 : i32
    %dma_start3A_26 = tpu.memref_slice %arg13[%dma_start3A_24, %dma_start3A_25] : memref<10000x32xf32, #tpu.memory_space<vmem_shared>> -> memref<10000x32xf32, #tpu.memory_space<vmem_shared>>
    tpu.enqueue_indirect_dma source(%dma_start3A_26 : memref<10000x32xf32, #tpu.memory_space<vmem_shared>>) target(%arg11 : memref<125x32xf32, #tpu.memory_space<vmem>>) offsets(%dma_start3A_23 : memref<125xi32, #tpu.memory_space<vmem>>) semaphore(%arg15 : memref<!tpu.dma_semaphore, #tpu.memory_space<semaphore_mem>>)
    %scan3A = arith.constant 0 : i32
    %scan3A_27 = arith.constant 40 : i32
    %scan3A_28 = arith.addi %scan3A, %scan3A_27 : i32
    %scan3A_29 = arith.constant 1 : i32
    scf.for %scan3A_55 = %scan3A to %scan3A_28 step %scan3A_29  : i32 {
      %mul3A_56 = arith.constant 2 : i32
      %mul3A_57 = arith.muli %scan3A_55, %mul3A_56 : i32
      %add3A_58 = arith.constant 0 : i32
      %add3A_59 = arith.addi %add3A_58, %mul3A_57 : i32
      %add3A_60 = arith.constant 0 : i32
      %add3A_61 = arith.addi %add3A_59, %add3A_60 : i32
      %dma_wait3A_62 = arith.constant 0 : i32
      %dma_wait3A_63 = tpu.memref_slice %arg8[%add3A_61, %dma_wait3A_62] : memref<80x125xi32, #tpu.memory_space<vmem>> -> memref<1x125xi32, #tpu.memory_space<vmem>>
      %dma_wait3A_64 = tpu.memref_squeeze %dma_wait3A_63 : memref<1x125xi32, #tpu.memory_space<vmem>> -> memref<125xi32, #tpu.memory_space<vmem>>
      %dma_wait3A_65 = arith.constant 0 : i32
      %dma_wait3A_66 = arith.constant 0 : i32
      %dma_wait3A_67 = tpu.memref_slice %arg13[%dma_wait3A_65, %dma_wait3A_66] : memref<10000x32xf32, #tpu.memory_space<vmem_shared>> -> memref<10000x32xf32, #tpu.memory_space<vmem_shared>>
      tpu.wait_indirect_dma semaphore(%arg14 : memref<!tpu.dma_semaphore, #tpu.memory_space<semaphore_mem>>) src(%dma_wait3A_67 : memref<10000x32xf32, #tpu.memory_space<vmem_shared>>) dst(%arg10 : memref<125x32xf32, #tpu.memory_space<vmem>>)
      %dma_start3A_68 = arith.constant 0 : i32
      %dma_start3A_69 = tpu.memref_slice %arg9[%add3A_61, %dma_start3A_68] : memref<80x125xi32, #tpu.memory_space<vmem>> -> memref<1x125xi32, #tpu.memory_space<vmem>>
      %dma_start3A_70 = tpu.memref_squeeze %dma_start3A_69 : memref<1x125xi32, #tpu.memory_space<vmem>> -> memref<125xi32, #tpu.memory_space<vmem>>
      %dma_start3A_71 = arith.constant 0 : i32
      %dma_start3A_72 = arith.constant 0 : i32
      %dma_start3A_73 = tpu.memref_slice %arg12[%dma_start3A_71, %dma_start3A_72] : memref<10000x32xf32, #tpu.memory_space<vmem_shared>> -> memref<10000x32xf32, #tpu.memory_space<vmem_shared>>
      tpu.enqueue_indirect_dma source(%arg10 : memref<125x32xf32, #tpu.memory_space<vmem>>) target(%dma_start3A_73 : memref<10000x32xf32, #tpu.memory_space<vmem_shared>>) offsets(%dma_start3A_70 : memref<125xi32, #tpu.memory_space<vmem>>) semaphore(%arg16 : memref<!tpu.dma_semaphore, #tpu.memory_space<semaphore_mem>>) {add = true}
      %add3A_74 = arith.constant 2 : i32
      %add3A_75 = arith.addi %add3A_61, %add3A_74 : i32
      %lt3A = arith.constant 80 : i32
      %lt3A_76 = arith.cmpi slt, %add3A_75, %lt3A : i32
      %convert_element_type3A = arith.extui %lt3A_76 : i1 to i32
      %cond3A = arith.constant 0 : i32
      %cond3A_77 = arith.cmpi ne, %convert_element_type3A, %cond3A : i32
      scf.if %cond3A_77 {
        %add3A_99 = arith.constant 2 : i32
        %add3A_100 = arith.addi %add3A_61, %add3A_99 : i32
        %sub3A = arith.constant 2 : i32
        %sub3A_101 = arith.subi %add3A_100, %sub3A : i32
        %ge3A = arith.constant 0 : i32
        %ge3A_102 = arith.cmpi sge, %sub3A_101, %ge3A : i32
        %convert_element_type3A_103 = arith.extui %ge3A_102 : i1 to i32
        %cond3A_104 = arith.constant 0 : i32
        %cond3A_105 = arith.cmpi ne, %convert_element_type3A_103, %cond3A_104 : i32
        scf.if %cond3A_105 {
          %dma_wait3A_114 = arith.constant 0 : i32
          %dma_wait3A_115 = tpu.memref_slice %arg9[%sub3A_101, %dma_wait3A_114] : memref<80x125xi32, #tpu.memory_space<vmem>> -> memref<1x125xi32, #tpu.memory_space<vmem>>
          %dma_wait3A_116 = tpu.memref_squeeze %dma_wait3A_115 : memref<1x125xi32, #tpu.memory_space<vmem>> -> memref<125xi32, #tpu.memory_space<vmem>>
          %dma_wait3A_117 = arith.constant 0 : i32
          %dma_wait3A_118 = arith.constant 0 : i32
          %dma_wait3A_119 = tpu.memref_slice %arg12[%dma_wait3A_117, %dma_wait3A_118] : memref<10000x32xf32, #tpu.memory_space<vmem_shared>> -> memref<10000x32xf32, #tpu.memory_space<vmem_shared>>
          tpu.wait_indirect_dma semaphore(%arg16 : memref<!tpu.dma_semaphore, #tpu.memory_space<semaphore_mem>>) src(%arg10 : memref<125x32xf32, #tpu.memory_space<vmem>>) dst(%dma_wait3A_119 : memref<10000x32xf32, #tpu.memory_space<vmem_shared>>)
        } else {
        }
        %add3A_106 = arith.constant 2 : i32
        %add3A_107 = arith.addi %add3A_61, %add3A_106 : i32
        %dma_start3A_108 = arith.constant 0 : i32
        %dma_start3A_109 = tpu.memref_slice %arg8[%add3A_107, %dma_start3A_108] : memref<80x125xi32, #tpu.memory_space<vmem>> -> memref<1x125xi32, #tpu.memory_space<vmem>>
        %dma_start3A_110 = tpu.memref_squeeze %dma_start3A_109 : memref<1x125xi32, #tpu.memory_space<vmem>> -> memref<125xi32, #tpu.memory_space<vmem>>
        %dma_start3A_111 = arith.constant 0 : i32
        %dma_start3A_112 = arith.constant 0 : i32
        %dma_start3A_113 = tpu.memref_slice %arg13[%dma_start3A_111, %dma_start3A_112] : memref<10000x32xf32, #tpu.memory_space<vmem_shared>> -> memref<10000x32xf32, #tpu.memory_space<vmem_shared>>
        tpu.enqueue_indirect_dma source(%dma_start3A_113 : memref<10000x32xf32, #tpu.memory_space<vmem_shared>>) target(%arg10 : memref<125x32xf32, #tpu.memory_space<vmem>>) offsets(%dma_start3A_110 : memref<125xi32, #tpu.memory_space<vmem>>) semaphore(%arg14 : memref<!tpu.dma_semaphore, #tpu.memory_space<semaphore_mem>>)
      } else {
      }
      %add3A_78 = arith.constant 1 : i32
      %add3A_79 = arith.addi %add3A_59, %add3A_78 : i32
      %dma_wait3A_80 = arith.constant 0 : i32
      %dma_wait3A_81 = tpu.memref_slice %arg8[%add3A_79, %dma_wait3A_80] : memref<80x125xi32, #tpu.memory_space<vmem>> -> memref<1x125xi32, #tpu.memory_space<vmem>>
      %dma_wait3A_82 = tpu.memref_squeeze %dma_wait3A_81 : memref<1x125xi32, #tpu.memory_space<vmem>> -> memref<125xi32, #tpu.memory_space<vmem>>
      %dma_wait3A_83 = arith.constant 0 : i32
      %dma_wait3A_84 = arith.constant 0 : i32
      %dma_wait3A_85 = tpu.memref_slice %arg13[%dma_wait3A_83, %dma_wait3A_84] : memref<10000x32xf32, #tpu.memory_space<vmem_shared>> -> memref<10000x32xf32, #tpu.memory_space<vmem_shared>>
      tpu.wait_indirect_dma semaphore(%arg15 : memref<!tpu.dma_semaphore, #tpu.memory_space<semaphore_mem>>) src(%dma_wait3A_85 : memref<10000x32xf32, #tpu.memory_space<vmem_shared>>) dst(%arg11 : memref<125x32xf32, #tpu.memory_space<vmem>>)
      %dma_start3A_86 = arith.constant 0 : i32
      %dma_start3A_87 = tpu.memref_slice %arg9[%add3A_79, %dma_start3A_86] : memref<80x125xi32, #tpu.memory_space<vmem>> -> memref<1x125xi32, #tpu.memory_space<vmem>>
      %dma_start3A_88 = tpu.memref_squeeze %dma_start3A_87 : memref<1x125xi32, #tpu.memory_space<vmem>> -> memref<125xi32, #tpu.memory_space<vmem>>
      %dma_start3A_89 = arith.constant 0 : i32
      %dma_start3A_90 = arith.constant 0 : i32
      %dma_start3A_91 = tpu.memref_slice %arg12[%dma_start3A_89, %dma_start3A_90] : memref<10000x32xf32, #tpu.memory_space<vmem_shared>> -> memref<10000x32xf32, #tpu.memory_space<vmem_shared>>
      tpu.enqueue_indirect_dma source(%arg11 : memref<125x32xf32, #tpu.memory_space<vmem>>) target(%dma_start3A_91 : memref<10000x32xf32, #tpu.memory_space<vmem_shared>>) offsets(%dma_start3A_88 : memref<125xi32, #tpu.memory_space<vmem>>) semaphore(%arg17 : memref<!tpu.dma_semaphore, #tpu.memory_space<semaphore_mem>>) {add = true}
      %add3A_92 = arith.constant 2 : i32
      %add3A_93 = arith.addi %add3A_79, %add3A_92 : i32
      %lt3A_94 = arith.constant 80 : i32
      %lt3A_95 = arith.cmpi slt, %add3A_93, %lt3A_94 : i32
      %convert_element_type3A_96 = arith.extui %lt3A_95 : i1 to i32
      %cond3A_97 = arith.constant 0 : i32
      %cond3A_98 = arith.cmpi ne, %convert_element_type3A_96, %cond3A_97 : i32
      scf.if %cond3A_98 {
        %add3A_99 = arith.constant 2 : i32
        %add3A_100 = arith.addi %add3A_79, %add3A_99 : i32
        %sub3A = arith.constant 2 : i32
        %sub3A_101 = arith.subi %add3A_100, %sub3A : i32
        %ge3A = arith.constant 0 : i32
        %ge3A_102 = arith.cmpi sge, %sub3A_101, %ge3A : i32
        %convert_element_type3A_103 = arith.extui %ge3A_102 : i1 to i32
        %cond3A_104 = arith.constant 0 : i32
        %cond3A_105 = arith.cmpi ne, %convert_element_type3A_103, %cond3A_104 : i32
        scf.if %cond3A_105 {
          %dma_wait3A_114 = arith.constant 0 : i32
          %dma_wait3A_115 = tpu.memref_slice %arg9[%sub3A_101, %dma_wait3A_114] : memref<80x125xi32, #tpu.memory_space<vmem>> -> memref<1x125xi32, #tpu.memory_space<vmem>>
          %dma_wait3A_116 = tpu.memref_squeeze %dma_wait3A_115 : memref<1x125xi32, #tpu.memory_space<vmem>> -> memref<125xi32, #tpu.memory_space<vmem>>
          %dma_wait3A_117 = arith.constant 0 : i32
          %dma_wait3A_118 = arith.constant 0 : i32
          %dma_wait3A_119 = tpu.memref_slice %arg12[%dma_wait3A_117, %dma_wait3A_118] : memref<10000x32xf32, #tpu.memory_space<vmem_shared>> -> memref<10000x32xf32, #tpu.memory_space<vmem_shared>>
          tpu.wait_indirect_dma semaphore(%arg17 : memref<!tpu.dma_semaphore, #tpu.memory_space<semaphore_mem>>) src(%arg11 : memref<125x32xf32, #tpu.memory_space<vmem>>) dst(%dma_wait3A_119 : memref<10000x32xf32, #tpu.memory_space<vmem_shared>>)
        } else {
        }
        %add3A_106 = arith.constant 2 : i32
        %add3A_107 = arith.addi %add3A_79, %add3A_106 : i32
        %dma_start3A_108 = arith.constant 0 : i32
        %dma_start3A_109 = tpu.memref_slice %arg8[%add3A_107, %dma_start3A_108] : memref<80x125xi32, #tpu.memory_space<vmem>> -> memref<1x125xi32, #tpu.memory_space<vmem>>
        %dma_start3A_110 = tpu.memref_squeeze %dma_start3A_109 : memref<1x125xi32, #tpu.memory_space<vmem>> -> memref<125xi32, #tpu.memory_space<vmem>>
        %dma_start3A_111 = arith.constant 0 : i32
        %dma_start3A_112 = arith.constant 0 : i32
        %dma_start3A_113 = tpu.memref_slice %arg13[%dma_start3A_111, %dma_start3A_112] : memref<10000x32xf32, #tpu.memory_space<vmem_shared>> -> memref<10000x32xf32, #tpu.memory_space<vmem_shared>>
        tpu.enqueue_indirect_dma source(%dma_start3A_113 : memref<10000x32xf32, #tpu.memory_space<vmem_shared>>) target(%arg11 : memref<125x32xf32, #tpu.memory_space<vmem>>) offsets(%dma_start3A_110 : memref<125xi32, #tpu.memory_space<vmem>>) semaphore(%arg15 : memref<!tpu.dma_semaphore, #tpu.memory_space<semaphore_mem>>)
      } else {
      }
    }
    %scan3A_30 = arith.constant 40 : i32
    %dma_wait3A = arith.constant 78 : i32
    %dma_wait3A_31 = arith.constant 0 : i32
    %dma_wait3A_32 = tpu.memref_slice %arg9[%dma_wait3A, %dma_wait3A_31] : memref<80x125xi32, #tpu.memory_space<vmem>> -> memref<1x125xi32, #tpu.memory_space<vmem>>
    %dma_wait3A_33 = tpu.memref_squeeze %dma_wait3A_32 : memref<1x125xi32, #tpu.memory_space<vmem>> -> memref<125xi32, #tpu.memory_space<vmem>>
    %dma_wait3A_34 = arith.constant 0 : i32
    %dma_wait3A_35 = arith.constant 0 : i32
    %dma_wait3A_36 = tpu.memref_slice %arg12[%dma_wait3A_34, %dma_wait3A_35] : memref<10000x32xf32, #tpu.memory_space<vmem_shared>> -> memref<10000x32xf32, #tpu.memory_space<vmem_shared>>
    tpu.wait_indirect_dma semaphore(%arg16 : memref<!tpu.dma_semaphore, #tpu.memory_space<semaphore_mem>>) src(%arg10 : memref<125x32xf32, #tpu.memory_space<vmem>>) dst(%dma_wait3A_36 : memref<10000x32xf32, #tpu.memory_space<vmem_shared>>)
    %dma_wait3A_37 = arith.constant 79 : i32
    %dma_wait3A_38 = arith.constant 0 : i32
    %dma_wait3A_39 = tpu.memref_slice %arg9[%dma_wait3A_37, %dma_wait3A_38] : memref<80x125xi32, #tpu.memory_space<vmem>> -> memref<1x125xi32, #tpu.memory_space<vmem>>
    %dma_wait3A_40 = tpu.memref_squeeze %dma_wait3A_39 : memref<1x125xi32, #tpu.memory_space<vmem>> -> memref<125xi32, #tpu.memory_space<vmem>>
    %dma_wait3A_41 = arith.constant 0 : i32
    %dma_wait3A_42 = arith.constant 0 : i32
    %dma_wait3A_43 = tpu.memref_slice %arg12[%dma_wait3A_41, %dma_wait3A_42] : memref<10000x32xf32, #tpu.memory_space<vmem_shared>> -> memref<10000x32xf32, #tpu.memory_space<vmem_shared>>
    tpu.wait_indirect_dma semaphore(%arg17 : memref<!tpu.dma_semaphore, #tpu.memory_space<semaphore_mem>>) src(%arg11 : memref<125x32xf32, #tpu.memory_space<vmem>>) dst(%dma_wait3A_43 : memref<10000x32xf32, #tpu.memory_space<vmem_shared>>)
    %barrier3A_44 = arith.constant 0 : index
    tpu.barrier barrier_id(%barrier3A_44)
    %add3A_45 = arith.constant 0 : i32
    %add3A_46 = arith.addi %mul3A_2, %add3A_45 : i32
    "tpu.region"() ({
      %run_scoped3A_55 = tpu.sem_alloc : memref<!tpu.dma_semaphore, #tpu.memory_space<semaphore_mem>>
      %dma_start3A_56 = arith.constant 0 : i32
      %dma_start3A_57 = tpu.memref_slice %arg12[%add3A_46, %dma_start3A_56] : memref<10000x32xf32, #tpu.memory_space<vmem_shared>> -> memref<125x32xf32, #tpu.memory_space<vmem_shared>>
      %dma_start3A_58 = arith.constant 0 : i32
      %dma_start3A_59 = tpu.memref_slice %arg12[%add3A_46, %dma_start3A_58] : memref<10000x32xf32, #tpu.memory_space<vmem_shared>> -> memref<125x32xf32, #tpu.memory_space<vmem_shared>>
      tpu.enqueue_dma source(%dma_start3A_59 : memref<125x32xf32, #tpu.memory_space<vmem_shared>>) target(%arg10 : memref<125x32xf32, #tpu.memory_space<vmem>>) target_semaphore(%run_scoped3A_55 : memref<!tpu.dma_semaphore, #tpu.memory_space<semaphore_mem>>)
      %dma_wait3A_60 = arith.constant 0 : i32
      %dma_wait3A_61 = tpu.memref_slice %arg12[%add3A_46, %dma_wait3A_60] : memref<10000x32xf32, #tpu.memory_space<vmem_shared>> -> memref<125x32xf32, #tpu.memory_space<vmem_shared>>
      %dma_wait3A_62 = arith.constant 0 : i32
      %dma_wait3A_63 = tpu.memref_slice %arg12[%add3A_46, %dma_wait3A_62] : memref<10000x32xf32, #tpu.memory_space<vmem_shared>> -> memref<125x32xf32, #tpu.memory_space<vmem_shared>>
      tpu.wait_dma2 semaphore(%run_scoped3A_55 : memref<!tpu.dma_semaphore, #tpu.memory_space<semaphore_mem>>) src(%dma_wait3A_63 : memref<125x32xf32, #tpu.memory_space<vmem_shared>>) dst(%arg10 : memref<125x32xf32, #tpu.memory_space<vmem>>)
      tpu.yield
    }) : () -> ()
    "tpu.region"() ({
      %run_scoped3A_55 = tpu.sem_alloc : memref<!tpu.dma_semaphore, #tpu.memory_space<semaphore_mem>>
      %dma_start3A_56 = arith.constant 0 : i32
      %dma_start3A_57 = tpu.memref_slice %arg7[%arg0, %add3A_46, %dma_start3A_56] : memref<2x10000x32xf32, #tpu.memory_space<hbm>> -> memref<1x125x32xf32, #tpu.memory_space<hbm>>
      %dma_start3A_58 = tpu.memref_squeeze %dma_start3A_57 : memref<1x125x32xf32, #tpu.memory_space<hbm>> -> memref<125x32xf32, #tpu.memory_space<hbm>>
      %dma_start3A_59 = arith.constant 0 : i32
      %dma_start3A_60 = tpu.memref_slice %arg7[%arg0, %add3A_46, %dma_start3A_59] : memref<2x10000x32xf32, #tpu.memory_space<hbm>> -> memref<1x125x32xf32, #tpu.memory_space<hbm>>
      %dma_start3A_61 = tpu.memref_squeeze %dma_start3A_60 : memref<1x125x32xf32, #tpu.memory_space<hbm>> -> memref<125x32xf32, #tpu.memory_space<hbm>>
      tpu.enqueue_dma source(%arg10 : memref<125x32xf32, #tpu.memory_space<vmem>>) target(%dma_start3A_61 : memref<125x32xf32, #tpu.memory_space<hbm>>) target_semaphore(%run_scoped3A_55 : memref<!tpu.dma_semaphore, #tpu.memory_space<semaphore_mem>>)
      %dma_wait3A_62 = arith.constant 0 : i32
      %dma_wait3A_63 = tpu.memref_slice %arg7[%arg0, %add3A_46, %dma_wait3A_62] : memref<2x10000x32xf32, #tpu.memory_space<hbm>> -> memref<1x125x32xf32, #tpu.memory_space<hbm>>
      %dma_wait3A_64 = tpu.memref_squeeze %dma_wait3A_63 : memref<1x125x32xf32, #tpu.memory_space<hbm>> -> memref<125x32xf32, #tpu.memory_space<hbm>>
      %dma_wait3A_65 = arith.constant 0 : i32
      %dma_wait3A_66 = tpu.memref_slice %arg7[%arg0, %add3A_46, %dma_wait3A_65] : memref<2x10000x32xf32, #tpu.memory_space<hbm>> -> memref<1x125x32xf32, #tpu.memory_space<hbm>>
      %dma_wait3A_67 = tpu.memref_squeeze %dma_wait3A_66 : memref<1x125x32xf32, #tpu.memory_space<hbm>> -> memref<125x32xf32, #tpu.memory_space<hbm>>
      tpu.wait_dma2 semaphore(%run_scoped3A_55 : memref<!tpu.dma_semaphore, #tpu.memory_space<semaphore_mem>>) src(%arg10 : memref<125x32xf32, #tpu.memory_space<vmem>>) dst(%dma_wait3A_67 : memref<125x32xf32, #tpu.memory_space<hbm>>)
      tpu.yield
    }) : () -> ()
    %add3A_47 = arith.constant 125 : i32
    %add3A_48 = arith.addi %mul3A_2, %add3A_47 : i32
    "tpu.region"() ({
      %run_scoped3A_55 = tpu.sem_alloc : memref<!tpu.dma_semaphore, #tpu.memory_space<semaphore_mem>>
      %dma_start3A_56 = arith.constant 0 : i32
      %dma_start3A_57 = tpu.memref_slice %arg12[%add3A_48, %dma_start3A_56] : memref<10000x32xf32, #tpu.memory_space<vmem_shared>> -> memref<125x32xf32, #tpu.memory_space<vmem_shared>>
      %dma_start3A_58 = arith.constant 0 : i32
      %dma_start3A_59 = tpu.memref_slice %arg12[%add3A_48, %dma_start3A_58] : memref<10000x32xf32, #tpu.memory_space<vmem_shared>> -> memref<125x32xf32, #tpu.memory_space<vmem_shared>>
      tpu.enqueue_dma source(%dma_start3A_59 : memref<125x32xf32, #tpu.memory_space<vmem_shared>>) target(%arg10 : memref<125x32xf32, #tpu.memory_space<vmem>>) target_semaphore(%run_scoped3A_55 : memref<!tpu.dma_semaphore, #tpu.memory_space<semaphore_mem>>)
      %dma_wait3A_60 = arith.constant 0 : i32
      %dma_wait3A_61 = tpu.memref_slice %arg12[%add3A_48, %dma_wait3A_60] : memref<10000x32xf32, #tpu.memory_space<vmem_shared>> -> memref<125x32xf32, #tpu.memory_space<vmem_shared>>
      %dma_wait3A_62 = arith.constant 0 : i32
      %dma_wait3A_63 = tpu.memref_slice %arg12[%add3A_48, %dma_wait3A_62] : memref<10000x32xf32, #tpu.memory_space<vmem_shared>> -> memref<125x32xf32, #tpu.memory_space<vmem_shared>>
      tpu.wait_dma2 semaphore(%run_scoped3A_55 : memref<!tpu.dma_semaphore, #tpu.memory_space<semaphore_mem>>) src(%dma_wait3A_63 : memref<125x32xf32, #tpu.memory_space<vmem_shared>>) dst(%arg10 : memref<125x32xf32, #tpu.memory_space<vmem>>)
      tpu.yield
    }) : () -> ()
    "tpu.region"() ({
      %run_scoped3A_55 = tpu.sem_alloc : memref<!tpu.dma_semaphore, #tpu.memory_space<semaphore_mem>>
      %dma_start3A_56 = arith.constant 0 : i32
      %dma_start3A_57 = tpu.memref_slice %arg7[%arg0, %add3A_48, %dma_start3A_56] : memref<2x10000x32xf32, #tpu.memory_space<hbm>> -> memref<1x125x32xf32, #tpu.memory_space<hbm>>
      %dma_start3A_58 = tpu.memref_squeeze %dma_start3A_57 : memref<1x125x32xf32, #tpu.memory_space<hbm>> -> memref<125x32xf32, #tpu.memory_space<hbm>>
      %dma_start3A_59 = arith.constant 0 : i32
      %dma_start3A_60 = tpu.memref_slice %arg7[%arg0, %add3A_48, %dma_start3A_59] : memref<2x10000x32xf32, #tpu.memory_space<hbm>> -> memref<1x125x32xf32, #tpu.memory_space<hbm>>
      %dma_start3A_61 = tpu.memref_squeeze %dma_start3A_60 : memref<1x125x32xf32, #tpu.memory_space<hbm>> -> memref<125x32xf32, #tpu.memory_space<hbm>>
      tpu.enqueue_dma source(%arg10 : memref<125x32xf32, #tpu.memory_space<vmem>>) target(%dma_start3A_61 : memref<125x32xf32, #tpu.memory_space<hbm>>) target_semaphore(%run_scoped3A_55 : memref<!tpu.dma_semaphore, #tpu.memory_space<semaphore_mem>>)
      %dma_wait3A_62 = arith.constant 0 : i32
      %dma_wait3A_63 = tpu.memref_slice %arg7[%arg0, %add3A_48, %dma_wait3A_62] : memref<2x10000x32xf32, #tpu.memory_space<hbm>> -> memref<1x125x32xf32, #tpu.memory_space<hbm>>
      %dma_wait3A_64 = tpu.memref_squeeze %dma_wait3A_63 : memref<1x125x32xf32, #tpu.memory_space<hbm>> -> memref<125x32xf32, #tpu.memory_space<hbm>>
      %dma_wait3A_65 = arith.constant 0 : i32
      %dma_wait3A_66 = tpu.memref_slice %arg7[%arg0, %add3A_48, %dma_wait3A_65] : memref<2x10000x32xf32, #tpu.memory_space<hbm>> -> memref<1x125x32xf32, #tpu.memory_space<hbm>>
      %dma_wait3A_67 = tpu.memref_squeeze %dma_wait3A_66 : memref<1x125x32xf32, #tpu.memory_space<hbm>> -> memref<125x32xf32, #tpu.memory_space<hbm>>
      tpu.wait_dma2 semaphore(%run_scoped3A_55 : memref<!tpu.dma_semaphore, #tpu.memory_space<semaphore_mem>>) src(%arg10 : memref<125x32xf32, #tpu.memory_space<vmem>>) dst(%dma_wait3A_67 : memref<125x32xf32, #tpu.memory_space<hbm>>)
      tpu.yield
    }) : () -> ()
    %add3A_49 = arith.constant 250 : i32
    %add3A_50 = arith.addi %mul3A_2, %add3A_49 : i32
    "tpu.region"() ({
      %run_scoped3A_55 = tpu.sem_alloc : memref<!tpu.dma_semaphore, #tpu.memory_space<semaphore_mem>>
      %dma_start3A_56 = arith.constant 0 : i32
      %dma_start3A_57 = tpu.memref_slice %arg12[%add3A_50, %dma_start3A_56] : memref<10000x32xf32, #tpu.memory_space<vmem_shared>> -> memref<125x32xf32, #tpu.memory_space<vmem_shared>>
      %dma_start3A_58 = arith.constant 0 : i32
      %dma_start3A_59 = tpu.memref_slice %arg12[%add3A_50, %dma_start3A_58] : memref<10000x32xf32, #tpu.memory_space<vmem_shared>> -> memref<125x32xf32, #tpu.memory_space<vmem_shared>>
      tpu.enqueue_dma source(%dma_start3A_59 : memref<125x32xf32, #tpu.memory_space<vmem_shared>>) target(%arg10 : memref<125x32xf32, #tpu.memory_space<vmem>>) target_semaphore(%run_scoped3A_55 : memref<!tpu.dma_semaphore, #tpu.memory_space<semaphore_mem>>)
      %dma_wait3A_60 = arith.constant 0 : i32
      %dma_wait3A_61 = tpu.memref_slice %arg12[%add3A_50, %dma_wait3A_60] : memref<10000x32xf32, #tpu.memory_space<vmem_shared>> -> memref<125x32xf32, #tpu.memory_space<vmem_shared>>
      %dma_wait3A_62 = arith.constant 0 : i32
      %dma_wait3A_63 = tpu.memref_slice %arg12[%add3A_50, %dma_wait3A_62] : memref<10000x32xf32, #tpu.memory_space<vmem_shared>> -> memref<125x32xf32, #tpu.memory_space<vmem_shared>>
      tpu.wait_dma2 semaphore(%run_scoped3A_55 : memref<!tpu.dma_semaphore, #tpu.memory_space<semaphore_mem>>) src(%dma_wait3A_63 : memref<125x32xf32, #tpu.memory_space<vmem_shared>>) dst(%arg10 : memref<125x32xf32, #tpu.memory_space<vmem>>)
      tpu.yield
    }) : () -> ()
    "tpu.region"() ({
      %run_scoped3A_55 = tpu.sem_alloc : memref<!tpu.dma_semaphore, #tpu.memory_space<semaphore_mem>>
      %dma_start3A_56 = arith.constant 0 : i32
      %dma_start3A_57 = tpu.memref_slice %arg7[%arg0, %add3A_50, %dma_start3A_56] : memref<2x10000x32xf32, #tpu.memory_space<hbm>> -> memref<1x125x32xf32, #tpu.memory_space<hbm>>
      %dma_start3A_58 = tpu.memref_squeeze %dma_start3A_57 : memref<1x125x32xf32, #tpu.memory_space<hbm>> -> memref<125x32xf32, #tpu.memory_space<hbm>>
      %dma_start3A_59 = arith.constant 0 : i32
      %dma_start3A_60 = tpu.memref_slice %arg7[%arg0, %add3A_50, %dma_start3A_59] : memref<2x10000x32xf32, #tpu.memory_space<hbm>> -> memref<1x125x32xf32, #tpu.memory_space<hbm>>
      %dma_start3A_61 = tpu.memref_squeeze %dma_start3A_60 : memref<1x125x32xf32, #tpu.memory_space<hbm>> -> memref<125x32xf32, #tpu.memory_space<hbm>>
      tpu.enqueue_dma source(%arg10 : memref<125x32xf32, #tpu.memory_space<vmem>>) target(%dma_start3A_61 : memref<125x32xf32, #tpu.memory_space<hbm>>) target_semaphore(%run_scoped3A_55 : memref<!tpu.dma_semaphore, #tpu.memory_space<semaphore_mem>>)
      %dma_wait3A_62 = arith.constant 0 : i32
      %dma_wait3A_63 = tpu.memref_slice %arg7[%arg0, %add3A_50, %dma_wait3A_62] : memref<2x10000x32xf32, #tpu.memory_space<hbm>> -> memref<1x125x32xf32, #tpu.memory_space<hbm>>
      %dma_wait3A_64 = tpu.memref_squeeze %dma_wait3A_63 : memref<1x125x32xf32, #tpu.memory_space<hbm>> -> memref<125x32xf32, #tpu.memory_space<hbm>>
      %dma_wait3A_65 = arith.constant 0 : i32
      %dma_wait3A_66 = tpu.memref_slice %arg7[%arg0, %add3A_50, %dma_wait3A_65] : memref<2x10000x32xf32, #tpu.memory_space<hbm>> -> memref<1x125x32xf32, #tpu.memory_space<hbm>>
      %dma_wait3A_67 = tpu.memref_squeeze %dma_wait3A_66 : memref<1x125x32xf32, #tpu.memory_space<hbm>> -> memref<125x32xf32, #tpu.memory_space<hbm>>
      tpu.wait_dma2 semaphore(%run_scoped3A_55 : memref<!tpu.dma_semaphore, #tpu.memory_space<semaphore_mem>>) src(%arg10 : memref<125x32xf32, #tpu.memory_space<vmem>>) dst(%dma_wait3A_67 : memref<125x32xf32, #tpu.memory_space<hbm>>)
      tpu.yield
    }) : () -> ()
    %add3A_51 = arith.constant 375 : i32
    %add3A_52 = arith.addi %mul3A_2, %add3A_51 : i32
    "tpu.region"() ({
      %run_scoped3A_55 = tpu.sem_alloc : memref<!tpu.dma_semaphore, #tpu.memory_space<semaphore_mem>>
      %dma_start3A_56 = arith.constant 0 : i32
      %dma_start3A_57 = tpu.memref_slice %arg12[%add3A_52, %dma_start3A_56] : memref<10000x32xf32, #tpu.memory_space<vmem_shared>> -> memref<125x32xf32, #tpu.memory_space<vmem_shared>>
      %dma_start3A_58 = arith.constant 0 : i32
      %dma_start3A_59 = tpu.memref_slice %arg12[%add3A_52, %dma_start3A_58] : memref<10000x32xf32, #tpu.memory_space<vmem_shared>> -> memref<125x32xf32, #tpu.memory_space<vmem_shared>>
      tpu.enqueue_dma source(%dma_start3A_59 : memref<125x32xf32, #tpu.memory_space<vmem_shared>>) target(%arg10 : memref<125x32xf32, #tpu.memory_space<vmem>>) target_semaphore(%run_scoped3A_55 : memref<!tpu.dma_semaphore, #tpu.memory_space<semaphore_mem>>)
      %dma_wait3A_60 = arith.constant 0 : i32
      %dma_wait3A_61 = tpu.memref_slice %arg12[%add3A_52, %dma_wait3A_60] : memref<10000x32xf32, #tpu.memory_space<vmem_shared>> -> memref<125x32xf32, #tpu.memory_space<vmem_shared>>
      %dma_wait3A_62 = arith.constant 0 : i32
      %dma_wait3A_63 = tpu.memref_slice %arg12[%add3A_52, %dma_wait3A_62] : memref<10000x32xf32, #tpu.memory_space<vmem_shared>> -> memref<125x32xf32, #tpu.memory_space<vmem_shared>>
      tpu.wait_dma2 semaphore(%run_scoped3A_55 : memref<!tpu.dma_semaphore, #tpu.memory_space<semaphore_mem>>) src(%dma_wait3A_63 : memref<125x32xf32, #tpu.memory_space<vmem_shared>>) dst(%arg10 : memref<125x32xf32, #tpu.memory_space<vmem>>)
      tpu.yield
    }) : () -> ()
    "tpu.region"() ({
      %run_scoped3A_55 = tpu.sem_alloc : memref<!tpu.dma_semaphore, #tpu.memory_space<semaphore_mem>>
      %dma_start3A_56 = arith.constant 0 : i32
      %dma_start3A_57 = tpu.memref_slice %arg7[%arg0, %add3A_52, %dma_start3A_56] : memref<2x10000x32xf32, #tpu.memory_space<hbm>> -> memref<1x125x32xf32, #tpu.memory_space<hbm>>
      %dma_start3A_58 = tpu.memref_squeeze %dma_start3A_57 : memref<1x125x32xf32, #tpu.memory_space<hbm>> -> memref<125x32xf32, #tpu.memory_space<hbm>>
      %dma_start3A_59 = arith.constant 0 : i32
      %dma_start3A_60 = tpu.memref_slice %arg7[%arg0, %add3A_52, %dma_start3A_59] : memref<2x10000x32xf32, #tpu.memory_space<hbm>> -> memref<1x125x32xf32, #tpu.memory_space<hbm>>
      %dma_start3A_61 = tpu.memref_squeeze %dma_start3A_60 : memref<1x125x32xf32, #tpu.memory_space<hbm>> -> memref<125x32xf32, #tpu.memory_space<hbm>>
      tpu.enqueue_dma source(%arg10 : memref<125x32xf32, #tpu.memory_space<vmem>>) target(%dma_start3A_61 : memref<125x32xf32, #tpu.memory_space<hbm>>) target_semaphore(%run_scoped3A_55 : memref<!tpu.dma_semaphore, #tpu.memory_space<semaphore_mem>>)
      %dma_wait3A_62 = arith.constant 0 : i32
      %dma_wait3A_63 = tpu.memref_slice %arg7[%arg0, %add3A_52, %dma_wait3A_62] : memref<2x10000x32xf32, #tpu.memory_space<hbm>> -> memref<1x125x32xf32, #tpu.memory_space<hbm>>
      %dma_wait3A_64 = tpu.memref_squeeze %dma_wait3A_63 : memref<1x125x32xf32, #tpu.memory_space<hbm>> -> memref<125x32xf32, #tpu.memory_space<hbm>>
      %dma_wait3A_65 = arith.constant 0 : i32
      %dma_wait3A_66 = tpu.memref_slice %arg7[%arg0, %add3A_52, %dma_wait3A_65] : memref<2x10000x32xf32, #tpu.memory_space<hbm>> -> memref<1x125x32xf32, #tpu.memory_space<hbm>>
      %dma_wait3A_67 = tpu.memref_squeeze %dma_wait3A_66 : memref<1x125x32xf32, #tpu.memory_space<hbm>> -> memref<125x32xf32, #tpu.memory_space<hbm>>
      tpu.wait_dma2 semaphore(%run_scoped3A_55 : memref<!tpu.dma_semaphore, #tpu.memory_space<semaphore_mem>>) src(%arg10 : memref<125x32xf32, #tpu.memory_space<vmem>>) dst(%dma_wait3A_67 : memref<125x32xf32, #tpu.memory_space<hbm>>)
      tpu.yield
    }) : () -> ()
    %add3A_53 = arith.constant 500 : i32
    %add3A_54 = arith.addi %mul3A_2, %add3A_53 : i32
    "tpu.region"() ({
      %run_scoped3A_55 = tpu.sem_alloc : memref<!tpu.dma_semaphore, #tpu.memory_space<semaphore_mem>>
      %dma_start3A_56 = arith.constant 0 : i32
      %dma_start3A_57 = tpu.memref_slice %arg12[%add3A_54, %dma_start3A_56] : memref<10000x32xf32, #tpu.memory_space<vmem_shared>> -> memref<125x32xf32, #tpu.memory_space<vmem_shared>>
      %dma_start3A_58 = arith.constant 0 : i32
      %dma_start3A_59 = tpu.memref_slice %arg12[%add3A_54, %dma_start3A_58] : memref<10000x32xf32, #tpu.memory_space<vmem_shared>> -> memref<125x32xf32, #tpu.memory_space<vmem_shared>>
      tpu.enqueue_dma source(%dma_start3A_59 : memref<125x32xf32, #tpu.memory_space<vmem_shared>>) target(%arg10 : memref<125x32xf32, #tpu.memory_space<vmem>>) target_semaphore(%run_scoped3A_55 : memref<!tpu.dma_semaphore, #tpu.memory_space<semaphore_mem>>)
      %dma_wait3A_60 = arith.constant 0 : i32
      %dma_wait3A_61 = tpu.memref_slice %arg12[%add3A_54, %dma_wait3A_60] : memref<10000x32xf32, #tpu.memory_space<vmem_shared>> -> memref<125x32xf32, #tpu.memory_space<vmem_shared>>
      %dma_wait3A_62 = arith.constant 0 : i32
      %dma_wait3A_63 = tpu.memref_slice %arg12[%add3A_54, %dma_wait3A_62] : memref<10000x32xf32, #tpu.memory_space<vmem_shared>> -> memref<125x32xf32, #tpu.memory_space<vmem_shared>>
      tpu.wait_dma2 semaphore(%run_scoped3A_55 : memref<!tpu.dma_semaphore, #tpu.memory_space<semaphore_mem>>) src(%dma_wait3A_63 : memref<125x32xf32, #tpu.memory_space<vmem_shared>>) dst(%arg10 : memref<125x32xf32, #tpu.memory_space<vmem>>)
      tpu.yield
    }) : () -> ()
    "tpu.region"() ({
      %run_scoped3A_55 = tpu.sem_alloc : memref<!tpu.dma_semaphore, #tpu.memory_space<semaphore_mem>>
      %dma_start3A_56 = arith.constant 0 : i32
      %dma_start3A_57 = tpu.memref_slice %arg7[%arg0, %add3A_54, %dma_start3A_56] : memref<2x10000x32xf32, #tpu.memory_space<hbm>> -> memref<1x125x32xf32, #tpu.memory_space<hbm>>
      %dma_start3A_58 = tpu.memref_squeeze %dma_start3A_57 : memref<1x125x32xf32, #tpu.memory_space<hbm>> -> memref<125x32xf32, #tpu.memory_space<hbm>>
      %dma_start3A_59 = arith.constant 0 : i32
      %dma_start3A_60 = tpu.memref_slice %arg7[%arg0, %add3A_54, %dma_start3A_59] : memref<2x10000x32xf32, #tpu.memory_space<hbm>> -> memref<1x125x32xf32, #tpu.memory_space<hbm>>
      %dma_start3A_61 = tpu.memref_squeeze %dma_start3A_60 : memref<1x125x32xf32, #tpu.memory_space<hbm>> -> memref<125x32xf32, #tpu.memory_space<hbm>>
      tpu.enqueue_dma source(%arg10 : memref<125x32xf32, #tpu.memory_space<vmem>>) target(%dma_start3A_61 : memref<125x32xf32, #tpu.memory_space<hbm>>) target_semaphore(%run_scoped3A_55 : memref<!tpu.dma_semaphore, #tpu.memory_space<semaphore_mem>>)
      %dma_wait3A_62 = arith.constant 0 : i32
      %dma_wait3A_63 = tpu.memref_slice %arg7[%arg0, %add3A_54, %dma_wait3A_62] : memref<2x10000x32xf32, #tpu.memory_space<hbm>> -> memref<1x125x32xf32, #tpu.memory_space<hbm>>
      %dma_wait3A_64 = tpu.memref_squeeze %dma_wait3A_63 : memref<1x125x32xf32, #tpu.memory_space<hbm>> -> memref<125x32xf32, #tpu.memory_space<hbm>>
      %dma_wait3A_65 = arith.constant 0 : i32
      %dma_wait3A_66 = tpu.memref_slice %arg7[%arg0, %add3A_54, %dma_wait3A_65] : memref<2x10000x32xf32, #tpu.memory_space<hbm>> -> memref<1x125x32xf32, #tpu.memory_space<hbm>>
      %dma_wait3A_67 = tpu.memref_squeeze %dma_wait3A_66 : memref<1x125x32xf32, #tpu.memory_space<hbm>> -> memref<125x32xf32, #tpu.memory_space<hbm>>
      tpu.wait_dma2 semaphore(%run_scoped3A_55 : memref<!tpu.dma_semaphore, #tpu.memory_space<semaphore_mem>>) src(%arg10 : memref<125x32xf32, #tpu.memory_space<vmem>>) dst(%dma_wait3A_67 : memref<125x32xf32, #tpu.memory_space<hbm>>)
      tpu.yield
    }) : () -> ()
    return
  }
}

#map = affine_map<(d0, d1) -> (0, 0)>
#map1 = affine_map<(d0, d1) -> (0, 0, 0, 0)>
#map2 = affine_map<(d0, d1) -> (0)>
#map3 = affine_map<(d0, d1) -> (0, 0, 0)>
module attributes {stable_mosaic.version = 14 : i64} {
  func.func @body(%arg0: i32, %arg1: i32, %arg2: memref<10000x64xf32, #tpu.memory_space<hbm>>, %arg3: memref<2x32x80x125xi32, #tpu.memory_space<hbm>>, %arg4: memref<125xf32, #tpu.memory_space<hbm>>, %arg5: memref<125x64xf32, #tpu.memory_space<hbm>>, %arg6: memref<1000xf32, #tpu.memory_space<hbm>>, %arg7: memref<2x10000x64xf32, #tpu.memory_space<hbm>>, %arg8: memref<2x10000xf32, #tpu.memory_space<hbm>>, %arg9: memref<80x125xi32, #tpu.memory_space<vmem>>, %arg10: memref<80x125xi32, #tpu.memory_space<vmem>>, %arg11: memref<125x64xf32, #tpu.memory_space<vmem>>, %arg12: memref<125x64xf32, #tpu.memory_space<vmem>>, %arg13: memref<125xf32, #tpu.memory_space<vmem>>, %arg14: memref<1000xf32, #tpu.memory_space<vmem>>, %arg15: memref<10000x64xf32, #tpu.memory_space<vmem_shared>>, %arg16: memref<10000x64xf32, #tpu.memory_space<vmem_shared>>, %arg17: memref<10000xf32, #tpu.memory_space<vmem_shared>>, %arg18: memref<!tpu.dma_semaphore, #tpu.memory_space<semaphore_mem>>, %arg19: memref<!tpu.dma_semaphore, #tpu.memory_space<semaphore_mem>>, %arg20: memref<!tpu.dma_semaphore, #tpu.memory_space<semaphore_mem>>, %arg21: memref<!tpu.dma_semaphore, #tpu.memory_space<semaphore_mem>>) attributes {dimension_semantics = [#tpu.dimension_semantics<core_parallel>, #tpu.dimension_semantics<subcore_parallel>], iteration_bounds = array<i64: 2, 16>, scalar_prefetch = 0 : i64, scratch_operands = 13 : i64, tpu.core_type = #tpu.core_type<sc_vector_subcore>, window_params = [{transform_indices = #map}, {transform_indices = #map1}, {transform_indices = #map2}, {transform_indices = #map}, {transform_indices = #map2}, {transform_indices = #map3}, {transform_indices = #map}]} {
    %mul3A = arith.constant 2 : i32
    %mul3A_0 = arith.muli %arg1, %mul3A : i32
    %add3A = arith.addi %mul3A_0, %arg0 : i32
    %mul3A_1 = arith.constant 625 : i32
    %mul3A_2 = arith.muli %arg1, %mul3A_1 : i32
    "tpu.region"() ({
      %run_scoped3A_74 = tpu.sem_alloc : memref<!tpu.dma_semaphore, #tpu.memory_space<semaphore_mem>>
      tpu.enqueue_dma source(%arg5 : memref<125x64xf32, #tpu.memory_space<hbm>>) target(%arg11 : memref<125x64xf32, #tpu.memory_space<vmem>>) target_semaphore(%run_scoped3A_74 : memref<!tpu.dma_semaphore, #tpu.memory_space<semaphore_mem>>)
      tpu.wait_dma2 semaphore(%run_scoped3A_74 : memref<!tpu.dma_semaphore, #tpu.memory_space<semaphore_mem>>) src(%arg5 : memref<125x64xf32, #tpu.memory_space<hbm>>) dst(%arg11 : memref<125x64xf32, #tpu.memory_space<vmem>>)
      tpu.yield
    }) : () -> ()
    "tpu.region"() ({
      %run_scoped3A_74 = tpu.sem_alloc : memref<!tpu.dma_semaphore, #tpu.memory_space<semaphore_mem>>
      tpu.enqueue_dma source(%arg6 : memref<1000xf32, #tpu.memory_space<hbm>>) target(%arg14 : memref<1000xf32, #tpu.memory_space<vmem>>) target_semaphore(%run_scoped3A_74 : memref<!tpu.dma_semaphore, #tpu.memory_space<semaphore_mem>>)
      tpu.wait_dma2 semaphore(%run_scoped3A_74 : memref<!tpu.dma_semaphore, #tpu.memory_space<semaphore_mem>>) src(%arg6 : memref<1000xf32, #tpu.memory_space<hbm>>) dst(%arg14 : memref<1000xf32, #tpu.memory_space<vmem>>)
      tpu.yield
    }) : () -> ()
    %add3A_3 = arith.constant 0 : i32
    %add3A_4 = arith.addi %mul3A_2, %add3A_3 : i32
    "tpu.region"() ({
      %run_scoped3A_74 = tpu.sem_alloc : memref<!tpu.dma_semaphore, #tpu.memory_space<semaphore_mem>>
      %dma_start3A_75 = arith.constant 0 : i32
      %dma_start3A_76 = tpu.memref_slice %arg15[%add3A_4, %dma_start3A_75] : memref<10000x64xf32, #tpu.memory_space<vmem_shared>> -> memref<125x64xf32, #tpu.memory_space<vmem_shared>>
      %dma_start3A_77 = arith.constant 0 : i32
      %dma_start3A_78 = tpu.memref_slice %arg15[%add3A_4, %dma_start3A_77] : memref<10000x64xf32, #tpu.memory_space<vmem_shared>> -> memref<125x64xf32, #tpu.memory_space<vmem_shared>>
      tpu.enqueue_dma source(%arg11 : memref<125x64xf32, #tpu.memory_space<vmem>>) target(%dma_start3A_78 : memref<125x64xf32, #tpu.memory_space<vmem_shared>>) target_semaphore(%run_scoped3A_74 : memref<!tpu.dma_semaphore, #tpu.memory_space<semaphore_mem>>)
      %dma_wait3A_79 = arith.constant 0 : i32
      %dma_wait3A_80 = tpu.memref_slice %arg15[%add3A_4, %dma_wait3A_79] : memref<10000x64xf32, #tpu.memory_space<vmem_shared>> -> memref<125x64xf32, #tpu.memory_space<vmem_shared>>
      %dma_wait3A_81 = arith.constant 0 : i32
      %dma_wait3A_82 = tpu.memref_slice %arg15[%add3A_4, %dma_wait3A_81] : memref<10000x64xf32, #tpu.memory_space<vmem_shared>> -> memref<125x64xf32, #tpu.memory_space<vmem_shared>>
      tpu.wait_dma2 semaphore(%run_scoped3A_74 : memref<!tpu.dma_semaphore, #tpu.memory_space<semaphore_mem>>) src(%arg11 : memref<125x64xf32, #tpu.memory_space<vmem>>) dst(%dma_wait3A_82 : memref<125x64xf32, #tpu.memory_space<vmem_shared>>)
      tpu.yield
    }) : () -> ()
    %add3A_5 = arith.constant 125 : i32
    %add3A_6 = arith.addi %mul3A_2, %add3A_5 : i32
    "tpu.region"() ({
      %run_scoped3A_74 = tpu.sem_alloc : memref<!tpu.dma_semaphore, #tpu.memory_space<semaphore_mem>>
      %dma_start3A_75 = arith.constant 0 : i32
      %dma_start3A_76 = tpu.memref_slice %arg15[%add3A_6, %dma_start3A_75] : memref<10000x64xf32, #tpu.memory_space<vmem_shared>> -> memref<125x64xf32, #tpu.memory_space<vmem_shared>>
      %dma_start3A_77 = arith.constant 0 : i32
      %dma_start3A_78 = tpu.memref_slice %arg15[%add3A_6, %dma_start3A_77] : memref<10000x64xf32, #tpu.memory_space<vmem_shared>> -> memref<125x64xf32, #tpu.memory_space<vmem_shared>>
      tpu.enqueue_dma source(%arg11 : memref<125x64xf32, #tpu.memory_space<vmem>>) target(%dma_start3A_78 : memref<125x64xf32, #tpu.memory_space<vmem_shared>>) target_semaphore(%run_scoped3A_74 : memref<!tpu.dma_semaphore, #tpu.memory_space<semaphore_mem>>)
      %dma_wait3A_79 = arith.constant 0 : i32
      %dma_wait3A_80 = tpu.memref_slice %arg15[%add3A_6, %dma_wait3A_79] : memref<10000x64xf32, #tpu.memory_space<vmem_shared>> -> memref<125x64xf32, #tpu.memory_space<vmem_shared>>
      %dma_wait3A_81 = arith.constant 0 : i32
      %dma_wait3A_82 = tpu.memref_slice %arg15[%add3A_6, %dma_wait3A_81] : memref<10000x64xf32, #tpu.memory_space<vmem_shared>> -> memref<125x64xf32, #tpu.memory_space<vmem_shared>>
      tpu.wait_dma2 semaphore(%run_scoped3A_74 : memref<!tpu.dma_semaphore, #tpu.memory_space<semaphore_mem>>) src(%arg11 : memref<125x64xf32, #tpu.memory_space<vmem>>) dst(%dma_wait3A_82 : memref<125x64xf32, #tpu.memory_space<vmem_shared>>)
      tpu.yield
    }) : () -> ()
    %add3A_7 = arith.constant 250 : i32
    %add3A_8 = arith.addi %mul3A_2, %add3A_7 : i32
    "tpu.region"() ({
      %run_scoped3A_74 = tpu.sem_alloc : memref<!tpu.dma_semaphore, #tpu.memory_space<semaphore_mem>>
      %dma_start3A_75 = arith.constant 0 : i32
      %dma_start3A_76 = tpu.memref_slice %arg15[%add3A_8, %dma_start3A_75] : memref<10000x64xf32, #tpu.memory_space<vmem_shared>> -> memref<125x64xf32, #tpu.memory_space<vmem_shared>>
      %dma_start3A_77 = arith.constant 0 : i32
      %dma_start3A_78 = tpu.memref_slice %arg15[%add3A_8, %dma_start3A_77] : memref<10000x64xf32, #tpu.memory_space<vmem_shared>> -> memref<125x64xf32, #tpu.memory_space<vmem_shared>>
      tpu.enqueue_dma source(%arg11 : memref<125x64xf32, #tpu.memory_space<vmem>>) target(%dma_start3A_78 : memref<125x64xf32, #tpu.memory_space<vmem_shared>>) target_semaphore(%run_scoped3A_74 : memref<!tpu.dma_semaphore, #tpu.memory_space<semaphore_mem>>)
      %dma_wait3A_79 = arith.constant 0 : i32
      %dma_wait3A_80 = tpu.memref_slice %arg15[%add3A_8, %dma_wait3A_79] : memref<10000x64xf32, #tpu.memory_space<vmem_shared>> -> memref<125x64xf32, #tpu.memory_space<vmem_shared>>
      %dma_wait3A_81 = arith.constant 0 : i32
      %dma_wait3A_82 = tpu.memref_slice %arg15[%add3A_8, %dma_wait3A_81] : memref<10000x64xf32, #tpu.memory_space<vmem_shared>> -> memref<125x64xf32, #tpu.memory_space<vmem_shared>>
      tpu.wait_dma2 semaphore(%run_scoped3A_74 : memref<!tpu.dma_semaphore, #tpu.memory_space<semaphore_mem>>) src(%arg11 : memref<125x64xf32, #tpu.memory_space<vmem>>) dst(%dma_wait3A_82 : memref<125x64xf32, #tpu.memory_space<vmem_shared>>)
      tpu.yield
    }) : () -> ()
    %add3A_9 = arith.constant 375 : i32
    %add3A_10 = arith.addi %mul3A_2, %add3A_9 : i32
    "tpu.region"() ({
      %run_scoped3A_74 = tpu.sem_alloc : memref<!tpu.dma_semaphore, #tpu.memory_space<semaphore_mem>>
      %dma_start3A_75 = arith.constant 0 : i32
      %dma_start3A_76 = tpu.memref_slice %arg15[%add3A_10, %dma_start3A_75] : memref<10000x64xf32, #tpu.memory_space<vmem_shared>> -> memref<125x64xf32, #tpu.memory_space<vmem_shared>>
      %dma_start3A_77 = arith.constant 0 : i32
      %dma_start3A_78 = tpu.memref_slice %arg15[%add3A_10, %dma_start3A_77] : memref<10000x64xf32, #tpu.memory_space<vmem_shared>> -> memref<125x64xf32, #tpu.memory_space<vmem_shared>>
      tpu.enqueue_dma source(%arg11 : memref<125x64xf32, #tpu.memory_space<vmem>>) target(%dma_start3A_78 : memref<125x64xf32, #tpu.memory_space<vmem_shared>>) target_semaphore(%run_scoped3A_74 : memref<!tpu.dma_semaphore, #tpu.memory_space<semaphore_mem>>)
      %dma_wait3A_79 = arith.constant 0 : i32
      %dma_wait3A_80 = tpu.memref_slice %arg15[%add3A_10, %dma_wait3A_79] : memref<10000x64xf32, #tpu.memory_space<vmem_shared>> -> memref<125x64xf32, #tpu.memory_space<vmem_shared>>
      %dma_wait3A_81 = arith.constant 0 : i32
      %dma_wait3A_82 = tpu.memref_slice %arg15[%add3A_10, %dma_wait3A_81] : memref<10000x64xf32, #tpu.memory_space<vmem_shared>> -> memref<125x64xf32, #tpu.memory_space<vmem_shared>>
      tpu.wait_dma2 semaphore(%run_scoped3A_74 : memref<!tpu.dma_semaphore, #tpu.memory_space<semaphore_mem>>) src(%arg11 : memref<125x64xf32, #tpu.memory_space<vmem>>) dst(%dma_wait3A_82 : memref<125x64xf32, #tpu.memory_space<vmem_shared>>)
      tpu.yield
    }) : () -> ()
    %add3A_11 = arith.constant 500 : i32
    %add3A_12 = arith.addi %mul3A_2, %add3A_11 : i32
    "tpu.region"() ({
      %run_scoped3A_74 = tpu.sem_alloc : memref<!tpu.dma_semaphore, #tpu.memory_space<semaphore_mem>>
      %dma_start3A_75 = arith.constant 0 : i32
      %dma_start3A_76 = tpu.memref_slice %arg15[%add3A_12, %dma_start3A_75] : memref<10000x64xf32, #tpu.memory_space<vmem_shared>> -> memref<125x64xf32, #tpu.memory_space<vmem_shared>>
      %dma_start3A_77 = arith.constant 0 : i32
      %dma_start3A_78 = tpu.memref_slice %arg15[%add3A_12, %dma_start3A_77] : memref<10000x64xf32, #tpu.memory_space<vmem_shared>> -> memref<125x64xf32, #tpu.memory_space<vmem_shared>>
      tpu.enqueue_dma source(%arg11 : memref<125x64xf32, #tpu.memory_space<vmem>>) target(%dma_start3A_78 : memref<125x64xf32, #tpu.memory_space<vmem_shared>>) target_semaphore(%run_scoped3A_74 : memref<!tpu.dma_semaphore, #tpu.memory_space<semaphore_mem>>)
      %dma_wait3A_79 = arith.constant 0 : i32
      %dma_wait3A_80 = tpu.memref_slice %arg15[%add3A_12, %dma_wait3A_79] : memref<10000x64xf32, #tpu.memory_space<vmem_shared>> -> memref<125x64xf32, #tpu.memory_space<vmem_shared>>
      %dma_wait3A_81 = arith.constant 0 : i32
      %dma_wait3A_82 = tpu.memref_slice %arg15[%add3A_12, %dma_wait3A_81] : memref<10000x64xf32, #tpu.memory_space<vmem_shared>> -> memref<125x64xf32, #tpu.memory_space<vmem_shared>>
      tpu.wait_dma2 semaphore(%run_scoped3A_74 : memref<!tpu.dma_semaphore, #tpu.memory_space<semaphore_mem>>) src(%arg11 : memref<125x64xf32, #tpu.memory_space<vmem>>) dst(%dma_wait3A_82 : memref<125x64xf32, #tpu.memory_space<vmem_shared>>)
      tpu.yield
    }) : () -> ()
    %lt3A = arith.constant 10 : i32
    %lt3A_13 = arith.cmpi slt, %arg1, %lt3A : i32
    %convert_element_type3A = arith.extui %lt3A_13 : i1 to i32
    %cond3A = arith.constant 0 : i32
    %cond3A_14 = arith.cmpi ne, %convert_element_type3A, %cond3A : i32
    scf.if %cond3A_14 {
      %mul3A_74 = arith.constant 1000 : i32
      %mul3A_75 = arith.muli %arg1, %mul3A_74 : i32
      "tpu.region"() ({
        %run_scoped3A_76 = tpu.sem_alloc : memref<!tpu.dma_semaphore, #tpu.memory_space<semaphore_mem>>
        %dma_start3A_77 = tpu.memref_slice %arg17[%mul3A_75] : memref<10000xf32, #tpu.memory_space<vmem_shared>> -> memref<1000xf32, #tpu.memory_space<vmem_shared>>
        %dma_start3A_78 = tpu.memref_slice %arg17[%mul3A_75] : memref<10000xf32, #tpu.memory_space<vmem_shared>> -> memref<1000xf32, #tpu.memory_space<vmem_shared>>
        tpu.enqueue_dma source(%arg14 : memref<1000xf32, #tpu.memory_space<vmem>>) target(%dma_start3A_78 : memref<1000xf32, #tpu.memory_space<vmem_shared>>) target_semaphore(%run_scoped3A_76 : memref<!tpu.dma_semaphore, #tpu.memory_space<semaphore_mem>>)
        %dma_wait3A_79 = tpu.memref_slice %arg17[%mul3A_75] : memref<10000xf32, #tpu.memory_space<vmem_shared>> -> memref<1000xf32, #tpu.memory_space<vmem_shared>>
        %dma_wait3A_80 = tpu.memref_slice %arg17[%mul3A_75] : memref<10000xf32, #tpu.memory_space<vmem_shared>> -> memref<1000xf32, #tpu.memory_space<vmem_shared>>
        tpu.wait_dma2 semaphore(%run_scoped3A_76 : memref<!tpu.dma_semaphore, #tpu.memory_space<semaphore_mem>>) src(%arg14 : memref<1000xf32, #tpu.memory_space<vmem>>) dst(%dma_wait3A_80 : memref<1000xf32, #tpu.memory_space<vmem_shared>>)
        tpu.yield
      }) : () -> ()
    } else {
    }
    "tpu.region"() ({
      %run_scoped3A_74 = tpu.sem_alloc : memref<!tpu.dma_semaphore, #tpu.memory_space<semaphore_mem>>
      tpu.enqueue_dma source(%arg4 : memref<125xf32, #tpu.memory_space<hbm>>) target(%arg13 : memref<125xf32, #tpu.memory_space<vmem>>) target_semaphore(%run_scoped3A_74 : memref<!tpu.dma_semaphore, #tpu.memory_space<semaphore_mem>>)
      tpu.wait_dma2 semaphore(%run_scoped3A_74 : memref<!tpu.dma_semaphore, #tpu.memory_space<semaphore_mem>>) src(%arg4 : memref<125xf32, #tpu.memory_space<hbm>>) dst(%arg13 : memref<125xf32, #tpu.memory_space<vmem>>)
      tpu.yield
    }) : () -> ()
    %run_scoped3A = arith.constant 0 : i32
    "tpu.region"() ({
      %run_scoped3A_74 = tpu.sem_alloc : memref<!tpu.dma_semaphore, #tpu.memory_space<semaphore_mem>>
      %dma_start3A_75 = arith.constant 0 : i32
      %dma_start3A_76 = arith.constant 0 : i32
      %dma_start3A_77 = tpu.memref_slice %arg3[%run_scoped3A, %add3A, %dma_start3A_75, %dma_start3A_76] : memref<2x32x80x125xi32, #tpu.memory_space<hbm>> -> memref<1x1x80x125xi32, #tpu.memory_space<hbm>>
      %dma_start3A_78 = tpu.memref_squeeze %dma_start3A_77 : memref<1x1x80x125xi32, #tpu.memory_space<hbm>> -> memref<80x125xi32, #tpu.memory_space<hbm>>
      %dma_start3A_79 = arith.constant 0 : i32
      %dma_start3A_80 = arith.constant 0 : i32
      %dma_start3A_81 = tpu.memref_slice %arg3[%run_scoped3A, %add3A, %dma_start3A_79, %dma_start3A_80] : memref<2x32x80x125xi32, #tpu.memory_space<hbm>> -> memref<1x1x80x125xi32, #tpu.memory_space<hbm>>
      %dma_start3A_82 = tpu.memref_squeeze %dma_start3A_81 : memref<1x1x80x125xi32, #tpu.memory_space<hbm>> -> memref<80x125xi32, #tpu.memory_space<hbm>>
      tpu.enqueue_dma source(%dma_start3A_82 : memref<80x125xi32, #tpu.memory_space<hbm>>) target(%arg9 : memref<80x125xi32, #tpu.memory_space<vmem>>) target_semaphore(%run_scoped3A_74 : memref<!tpu.dma_semaphore, #tpu.memory_space<semaphore_mem>>)
      %dma_wait3A_83 = arith.constant 0 : i32
      %dma_wait3A_84 = arith.constant 0 : i32
      %dma_wait3A_85 = tpu.memref_slice %arg3[%run_scoped3A, %add3A, %dma_wait3A_83, %dma_wait3A_84] : memref<2x32x80x125xi32, #tpu.memory_space<hbm>> -> memref<1x1x80x125xi32, #tpu.memory_space<hbm>>
      %dma_wait3A_86 = tpu.memref_squeeze %dma_wait3A_85 : memref<1x1x80x125xi32, #tpu.memory_space<hbm>> -> memref<80x125xi32, #tpu.memory_space<hbm>>
      %dma_wait3A_87 = arith.constant 0 : i32
      %dma_wait3A_88 = arith.constant 0 : i32
      %dma_wait3A_89 = tpu.memref_slice %arg3[%run_scoped3A, %add3A, %dma_wait3A_87, %dma_wait3A_88] : memref<2x32x80x125xi32, #tpu.memory_space<hbm>> -> memref<1x1x80x125xi32, #tpu.memory_space<hbm>>
      %dma_wait3A_90 = tpu.memref_squeeze %dma_wait3A_89 : memref<1x1x80x125xi32, #tpu.memory_space<hbm>> -> memref<80x125xi32, #tpu.memory_space<hbm>>
      tpu.wait_dma2 semaphore(%run_scoped3A_74 : memref<!tpu.dma_semaphore, #tpu.memory_space<semaphore_mem>>) src(%dma_wait3A_90 : memref<80x125xi32, #tpu.memory_space<hbm>>) dst(%arg9 : memref<80x125xi32, #tpu.memory_space<vmem>>)
      tpu.yield
    }) : () -> ()
    %run_scoped3A_15 = arith.constant 1 : i32
    "tpu.region"() ({
      %run_scoped3A_74 = tpu.sem_alloc : memref<!tpu.dma_semaphore, #tpu.memory_space<semaphore_mem>>
      %dma_start3A_75 = arith.constant 0 : i32
      %dma_start3A_76 = arith.constant 0 : i32
      %dma_start3A_77 = tpu.memref_slice %arg3[%run_scoped3A_15, %add3A, %dma_start3A_75, %dma_start3A_76] : memref<2x32x80x125xi32, #tpu.memory_space<hbm>> -> memref<1x1x80x125xi32, #tpu.memory_space<hbm>>
      %dma_start3A_78 = tpu.memref_squeeze %dma_start3A_77 : memref<1x1x80x125xi32, #tpu.memory_space<hbm>> -> memref<80x125xi32, #tpu.memory_space<hbm>>
      %dma_start3A_79 = arith.constant 0 : i32
      %dma_start3A_80 = arith.constant 0 : i32
      %dma_start3A_81 = tpu.memref_slice %arg3[%run_scoped3A_15, %add3A, %dma_start3A_79, %dma_start3A_80] : memref<2x32x80x125xi32, #tpu.memory_space<hbm>> -> memref<1x1x80x125xi32, #tpu.memory_space<hbm>>
      %dma_start3A_82 = tpu.memref_squeeze %dma_start3A_81 : memref<1x1x80x125xi32, #tpu.memory_space<hbm>> -> memref<80x125xi32, #tpu.memory_space<hbm>>
      tpu.enqueue_dma source(%dma_start3A_82 : memref<80x125xi32, #tpu.memory_space<hbm>>) target(%arg10 : memref<80x125xi32, #tpu.memory_space<vmem>>) target_semaphore(%run_scoped3A_74 : memref<!tpu.dma_semaphore, #tpu.memory_space<semaphore_mem>>)
      %dma_wait3A_83 = arith.constant 0 : i32
      %dma_wait3A_84 = arith.constant 0 : i32
      %dma_wait3A_85 = tpu.memref_slice %arg3[%run_scoped3A_15, %add3A, %dma_wait3A_83, %dma_wait3A_84] : memref<2x32x80x125xi32, #tpu.memory_space<hbm>> -> memref<1x1x80x125xi32, #tpu.memory_space<hbm>>
      %dma_wait3A_86 = tpu.memref_squeeze %dma_wait3A_85 : memref<1x1x80x125xi32, #tpu.memory_space<hbm>> -> memref<80x125xi32, #tpu.memory_space<hbm>>
      %dma_wait3A_87 = arith.constant 0 : i32
      %dma_wait3A_88 = arith.constant 0 : i32
      %dma_wait3A_89 = tpu.memref_slice %arg3[%run_scoped3A_15, %add3A, %dma_wait3A_87, %dma_wait3A_88] : memref<2x32x80x125xi32, #tpu.memory_space<hbm>> -> memref<1x1x80x125xi32, #tpu.memory_space<hbm>>
      %dma_wait3A_90 = tpu.memref_squeeze %dma_wait3A_89 : memref<1x1x80x125xi32, #tpu.memory_space<hbm>> -> memref<80x125xi32, #tpu.memory_space<hbm>>
      tpu.wait_dma2 semaphore(%run_scoped3A_74 : memref<!tpu.dma_semaphore, #tpu.memory_space<semaphore_mem>>) src(%dma_wait3A_90 : memref<80x125xi32, #tpu.memory_space<hbm>>) dst(%arg10 : memref<80x125xi32, #tpu.memory_space<vmem>>)
      tpu.yield
    }) : () -> ()
    "tpu.region"() ({
      %run_scoped3A_74 = tpu.sem_alloc : memref<!tpu.dma_semaphore, #tpu.memory_space<semaphore_mem>>
      %dma_start3A_75 = arith.constant 0 : i32
      %dma_start3A_76 = tpu.memref_slice %arg16[%mul3A_2, %dma_start3A_75] : memref<10000x64xf32, #tpu.memory_space<vmem_shared>> -> memref<625x64xf32, #tpu.memory_space<vmem_shared>>
      %dma_start3A_77 = arith.constant 0 : i32
      %dma_start3A_78 = tpu.memref_slice %arg2[%mul3A_2, %dma_start3A_77] : memref<10000x64xf32, #tpu.memory_space<hbm>> -> memref<625x64xf32, #tpu.memory_space<hbm>>
      tpu.enqueue_dma source(%dma_start3A_78 : memref<625x64xf32, #tpu.memory_space<hbm>>) target(%dma_start3A_76 : memref<625x64xf32, #tpu.memory_space<vmem_shared>>) target_semaphore(%run_scoped3A_74 : memref<!tpu.dma_semaphore, #tpu.memory_space<semaphore_mem>>)
      %dma_wait3A_79 = arith.constant 0 : i32
      %dma_wait3A_80 = tpu.memref_slice %arg16[%mul3A_2, %dma_wait3A_79] : memref<10000x64xf32, #tpu.memory_space<vmem_shared>> -> memref<625x64xf32, #tpu.memory_space<vmem_shared>>
      %dma_wait3A_81 = arith.constant 0 : i32
      %dma_wait3A_82 = tpu.memref_slice %arg2[%mul3A_2, %dma_wait3A_81] : memref<10000x64xf32, #tpu.memory_space<hbm>> -> memref<625x64xf32, #tpu.memory_space<hbm>>
      tpu.wait_dma2 semaphore(%run_scoped3A_74 : memref<!tpu.dma_semaphore, #tpu.memory_space<semaphore_mem>>) src(%dma_wait3A_82 : memref<625x64xf32, #tpu.memory_space<hbm>>) dst(%dma_wait3A_80 : memref<625x64xf32, #tpu.memory_space<vmem_shared>>)
      tpu.yield
    }) : () -> ()
    %barrier3A = arith.constant 0 : index
    tpu.barrier barrier_id(%barrier3A)
    %dma_start3A = arith.constant 0 : i32
    %dma_start3A_16 = arith.constant 0 : i32
    %dma_start3A_17 = tpu.memref_slice %arg9[%dma_start3A, %dma_start3A_16] : memref<80x125xi32, #tpu.memory_space<vmem>> -> memref<1x125xi32, #tpu.memory_space<vmem>>
    %dma_start3A_18 = tpu.memref_squeeze %dma_start3A_17 : memref<1x125xi32, #tpu.memory_space<vmem>> -> memref<125xi32, #tpu.memory_space<vmem>>
    %dma_start3A_19 = arith.constant 0 : i32
    %dma_start3A_20 = arith.constant 0 : i32
    %dma_start3A_21 = tpu.memref_slice %arg16[%dma_start3A_19, %dma_start3A_20] : memref<10000x64xf32, #tpu.memory_space<vmem_shared>> -> memref<10000x64xf32, #tpu.memory_space<vmem_shared>>
    tpu.enqueue_indirect_dma source(%dma_start3A_21 : memref<10000x64xf32, #tpu.memory_space<vmem_shared>>) target(%arg11 : memref<125x64xf32, #tpu.memory_space<vmem>>) offsets(%dma_start3A_18 : memref<125xi32, #tpu.memory_space<vmem>>) semaphore(%arg18 : memref<!tpu.dma_semaphore, #tpu.memory_space<semaphore_mem>>)
    %dma_start3A_22 = arith.constant 1 : i32
    %dma_start3A_23 = arith.constant 0 : i32
    %dma_start3A_24 = tpu.memref_slice %arg9[%dma_start3A_22, %dma_start3A_23] : memref<80x125xi32, #tpu.memory_space<vmem>> -> memref<1x125xi32, #tpu.memory_space<vmem>>
    %dma_start3A_25 = tpu.memref_squeeze %dma_start3A_24 : memref<1x125xi32, #tpu.memory_space<vmem>> -> memref<125xi32, #tpu.memory_space<vmem>>
    %dma_start3A_26 = arith.constant 0 : i32
    %dma_start3A_27 = arith.constant 0 : i32
    %dma_start3A_28 = tpu.memref_slice %arg16[%dma_start3A_26, %dma_start3A_27] : memref<10000x64xf32, #tpu.memory_space<vmem_shared>> -> memref<10000x64xf32, #tpu.memory_space<vmem_shared>>
    tpu.enqueue_indirect_dma source(%dma_start3A_28 : memref<10000x64xf32, #tpu.memory_space<vmem_shared>>) target(%arg12 : memref<125x64xf32, #tpu.memory_space<vmem>>) offsets(%dma_start3A_25 : memref<125xi32, #tpu.memory_space<vmem>>) semaphore(%arg19 : memref<!tpu.dma_semaphore, #tpu.memory_space<semaphore_mem>>)
    %scan3A = arith.constant 0 : i32
    %scan3A_29 = arith.constant 40 : i32
    %scan3A_30 = arith.addi %scan3A, %scan3A_29 : i32
    %scan3A_31 = arith.constant 1 : i32
    scf.for %scan3A_74 = %scan3A to %scan3A_30 step %scan3A_31  : i32 {
      %mul3A_75 = arith.constant 2 : i32
      %mul3A_76 = arith.muli %scan3A_74, %mul3A_75 : i32
      %add3A_77 = arith.constant 0 : i32
      %add3A_78 = arith.addi %add3A_77, %mul3A_76 : i32
      %add3A_79 = arith.constant 0 : i32
      %add3A_80 = arith.addi %add3A_78, %add3A_79 : i32
      %dma_wait3A_81 = arith.constant 0 : i32
      %dma_wait3A_82 = tpu.memref_slice %arg9[%add3A_80, %dma_wait3A_81] : memref<80x125xi32, #tpu.memory_space<vmem>> -> memref<1x125xi32, #tpu.memory_space<vmem>>
      %dma_wait3A_83 = tpu.memref_squeeze %dma_wait3A_82 : memref<1x125xi32, #tpu.memory_space<vmem>> -> memref<125xi32, #tpu.memory_space<vmem>>
      %dma_wait3A_84 = arith.constant 0 : i32
      %dma_wait3A_85 = arith.constant 0 : i32
      %dma_wait3A_86 = tpu.memref_slice %arg16[%dma_wait3A_84, %dma_wait3A_85] : memref<10000x64xf32, #tpu.memory_space<vmem_shared>> -> memref<10000x64xf32, #tpu.memory_space<vmem_shared>>
      tpu.wait_indirect_dma semaphore(%arg18 : memref<!tpu.dma_semaphore, #tpu.memory_space<semaphore_mem>>) src(%dma_wait3A_86 : memref<10000x64xf32, #tpu.memory_space<vmem_shared>>) dst(%arg11 : memref<125x64xf32, #tpu.memory_space<vmem>>)
      %dma_start3A_87 = arith.constant 0 : i32
      %dma_start3A_88 = tpu.memref_slice %arg10[%add3A_80, %dma_start3A_87] : memref<80x125xi32, #tpu.memory_space<vmem>> -> memref<1x125xi32, #tpu.memory_space<vmem>>
      %dma_start3A_89 = tpu.memref_squeeze %dma_start3A_88 : memref<1x125xi32, #tpu.memory_space<vmem>> -> memref<125xi32, #tpu.memory_space<vmem>>
      %dma_start3A_90 = arith.constant 0 : i32
      %dma_start3A_91 = arith.constant 0 : i32
      %dma_start3A_92 = tpu.memref_slice %arg15[%dma_start3A_90, %dma_start3A_91] : memref<10000x64xf32, #tpu.memory_space<vmem_shared>> -> memref<10000x64xf32, #tpu.memory_space<vmem_shared>>
      tpu.enqueue_indirect_dma source(%arg11 : memref<125x64xf32, #tpu.memory_space<vmem>>) target(%dma_start3A_92 : memref<10000x64xf32, #tpu.memory_space<vmem_shared>>) offsets(%dma_start3A_89 : memref<125xi32, #tpu.memory_space<vmem>>) semaphore(%arg20 : memref<!tpu.dma_semaphore, #tpu.memory_space<semaphore_mem>>) {add = true}
      %dma_start3A_93 = arith.constant 0 : i32
      %dma_start3A_94 = tpu.memref_slice %arg10[%add3A_80, %dma_start3A_93] : memref<80x125xi32, #tpu.memory_space<vmem>> -> memref<1x125xi32, #tpu.memory_space<vmem>>
      %dma_start3A_95 = tpu.memref_squeeze %dma_start3A_94 : memref<1x125xi32, #tpu.memory_space<vmem>> -> memref<125xi32, #tpu.memory_space<vmem>>
      %dma_start3A_96 = arith.constant 0 : i32
      %dma_start3A_97 = tpu.memref_slice %arg17[%dma_start3A_96] : memref<10000xf32, #tpu.memory_space<vmem_shared>> -> memref<10000xf32, #tpu.memory_space<vmem_shared>>
      tpu.enqueue_indirect_dma source(%arg13 : memref<125xf32, #tpu.memory_space<vmem>>) target(%dma_start3A_97 : memref<10000xf32, #tpu.memory_space<vmem_shared>>) offsets(%dma_start3A_95 : memref<125xi32, #tpu.memory_space<vmem>>) semaphore(%arg20 : memref<!tpu.dma_semaphore, #tpu.memory_space<semaphore_mem>>) {add = true}
      %add3A_98 = arith.constant 2 : i32
      %add3A_99 = arith.addi %add3A_80, %add3A_98 : i32
      %lt3A_100 = arith.constant 80 : i32
      %lt3A_101 = arith.cmpi slt, %add3A_99, %lt3A_100 : i32
      %convert_element_type3A_102 = arith.extui %lt3A_101 : i1 to i32
      %cond3A_103 = arith.constant 0 : i32
      %cond3A_104 = arith.cmpi ne, %convert_element_type3A_102, %cond3A_103 : i32
      scf.if %cond3A_104 {
        %add3A_131 = arith.constant 2 : i32
        %add3A_132 = arith.addi %add3A_80, %add3A_131 : i32
        %sub3A = arith.constant 2 : i32
        %sub3A_133 = arith.subi %add3A_132, %sub3A : i32
        %ge3A = arith.constant 0 : i32
        %ge3A_134 = arith.cmpi sge, %sub3A_133, %ge3A : i32
        %convert_element_type3A_135 = arith.extui %ge3A_134 : i1 to i32
        %cond3A_136 = arith.constant 0 : i32
        %cond3A_137 = arith.cmpi ne, %convert_element_type3A_135, %cond3A_136 : i32
        scf.if %cond3A_137 {
          %dma_wait3A_146 = arith.constant 0 : i32
          %dma_wait3A_147 = tpu.memref_slice %arg10[%sub3A_133, %dma_wait3A_146] : memref<80x125xi32, #tpu.memory_space<vmem>> -> memref<1x125xi32, #tpu.memory_space<vmem>>
          %dma_wait3A_148 = tpu.memref_squeeze %dma_wait3A_147 : memref<1x125xi32, #tpu.memory_space<vmem>> -> memref<125xi32, #tpu.memory_space<vmem>>
          %dma_wait3A_149 = arith.constant 0 : i32
          %dma_wait3A_150 = arith.constant 0 : i32
          %dma_wait3A_151 = tpu.memref_slice %arg15[%dma_wait3A_149, %dma_wait3A_150] : memref<10000x64xf32, #tpu.memory_space<vmem_shared>> -> memref<10000x64xf32, #tpu.memory_space<vmem_shared>>
          tpu.wait_indirect_dma semaphore(%arg20 : memref<!tpu.dma_semaphore, #tpu.memory_space<semaphore_mem>>) src(%arg11 : memref<125x64xf32, #tpu.memory_space<vmem>>) dst(%dma_wait3A_151 : memref<10000x64xf32, #tpu.memory_space<vmem_shared>>)
          %dma_wait3A_152 = arith.constant 0 : i32
          %dma_wait3A_153 = tpu.memref_slice %arg10[%sub3A_133, %dma_wait3A_152] : memref<80x125xi32, #tpu.memory_space<vmem>> -> memref<1x125xi32, #tpu.memory_space<vmem>>
          %dma_wait3A_154 = tpu.memref_squeeze %dma_wait3A_153 : memref<1x125xi32, #tpu.memory_space<vmem>> -> memref<125xi32, #tpu.memory_space<vmem>>
          %dma_wait3A_155 = arith.constant 0 : i32
          %dma_wait3A_156 = tpu.memref_slice %arg17[%dma_wait3A_155] : memref<10000xf32, #tpu.memory_space<vmem_shared>> -> memref<10000xf32, #tpu.memory_space<vmem_shared>>
          tpu.wait_indirect_dma semaphore(%arg20 : memref<!tpu.dma_semaphore, #tpu.memory_space<semaphore_mem>>) src(%arg13 : memref<125xf32, #tpu.memory_space<vmem>>) dst(%dma_wait3A_156 : memref<10000xf32, #tpu.memory_space<vmem_shared>>)
        } else {
        }
        %add3A_138 = arith.constant 2 : i32
        %add3A_139 = arith.addi %add3A_80, %add3A_138 : i32
        %dma_start3A_140 = arith.constant 0 : i32
        %dma_start3A_141 = tpu.memref_slice %arg9[%add3A_139, %dma_start3A_140] : memref<80x125xi32, #tpu.memory_space<vmem>> -> memref<1x125xi32, #tpu.memory_space<vmem>>
        %dma_start3A_142 = tpu.memref_squeeze %dma_start3A_141 : memref<1x125xi32, #tpu.memory_space<vmem>> -> memref<125xi32, #tpu.memory_space<vmem>>
        %dma_start3A_143 = arith.constant 0 : i32
        %dma_start3A_144 = arith.constant 0 : i32
        %dma_start3A_145 = tpu.memref_slice %arg16[%dma_start3A_143, %dma_start3A_144] : memref<10000x64xf32, #tpu.memory_space<vmem_shared>> -> memref<10000x64xf32, #tpu.memory_space<vmem_shared>>
        tpu.enqueue_indirect_dma source(%dma_start3A_145 : memref<10000x64xf32, #tpu.memory_space<vmem_shared>>) target(%arg11 : memref<125x64xf32, #tpu.memory_space<vmem>>) offsets(%dma_start3A_142 : memref<125xi32, #tpu.memory_space<vmem>>) semaphore(%arg18 : memref<!tpu.dma_semaphore, #tpu.memory_space<semaphore_mem>>)
      } else {
      }
      %add3A_105 = arith.constant 1 : i32
      %add3A_106 = arith.addi %add3A_78, %add3A_105 : i32
      %dma_wait3A_107 = arith.constant 0 : i32
      %dma_wait3A_108 = tpu.memref_slice %arg9[%add3A_106, %dma_wait3A_107] : memref<80x125xi32, #tpu.memory_space<vmem>> -> memref<1x125xi32, #tpu.memory_space<vmem>>
      %dma_wait3A_109 = tpu.memref_squeeze %dma_wait3A_108 : memref<1x125xi32, #tpu.memory_space<vmem>> -> memref<125xi32, #tpu.memory_space<vmem>>
      %dma_wait3A_110 = arith.constant 0 : i32
      %dma_wait3A_111 = arith.constant 0 : i32
      %dma_wait3A_112 = tpu.memref_slice %arg16[%dma_wait3A_110, %dma_wait3A_111] : memref<10000x64xf32, #tpu.memory_space<vmem_shared>> -> memref<10000x64xf32, #tpu.memory_space<vmem_shared>>
      tpu.wait_indirect_dma semaphore(%arg19 : memref<!tpu.dma_semaphore, #tpu.memory_space<semaphore_mem>>) src(%dma_wait3A_112 : memref<10000x64xf32, #tpu.memory_space<vmem_shared>>) dst(%arg12 : memref<125x64xf32, #tpu.memory_space<vmem>>)
      %dma_start3A_113 = arith.constant 0 : i32
      %dma_start3A_114 = tpu.memref_slice %arg10[%add3A_106, %dma_start3A_113] : memref<80x125xi32, #tpu.memory_space<vmem>> -> memref<1x125xi32, #tpu.memory_space<vmem>>
      %dma_start3A_115 = tpu.memref_squeeze %dma_start3A_114 : memref<1x125xi32, #tpu.memory_space<vmem>> -> memref<125xi32, #tpu.memory_space<vmem>>
      %dma_start3A_116 = arith.constant 0 : i32
      %dma_start3A_117 = arith.constant 0 : i32
      %dma_start3A_118 = tpu.memref_slice %arg15[%dma_start3A_116, %dma_start3A_117] : memref<10000x64xf32, #tpu.memory_space<vmem_shared>> -> memref<10000x64xf32, #tpu.memory_space<vmem_shared>>
      tpu.enqueue_indirect_dma source(%arg12 : memref<125x64xf32, #tpu.memory_space<vmem>>) target(%dma_start3A_118 : memref<10000x64xf32, #tpu.memory_space<vmem_shared>>) offsets(%dma_start3A_115 : memref<125xi32, #tpu.memory_space<vmem>>) semaphore(%arg21 : memref<!tpu.dma_semaphore, #tpu.memory_space<semaphore_mem>>) {add = true}
      %dma_start3A_119 = arith.constant 0 : i32
      %dma_start3A_120 = tpu.memref_slice %arg10[%add3A_106, %dma_start3A_119] : memref<80x125xi32, #tpu.memory_space<vmem>> -> memref<1x125xi32, #tpu.memory_space<vmem>>
      %dma_start3A_121 = tpu.memref_squeeze %dma_start3A_120 : memref<1x125xi32, #tpu.memory_space<vmem>> -> memref<125xi32, #tpu.memory_space<vmem>>
      %dma_start3A_122 = arith.constant 0 : i32
      %dma_start3A_123 = tpu.memref_slice %arg17[%dma_start3A_122] : memref<10000xf32, #tpu.memory_space<vmem_shared>> -> memref<10000xf32, #tpu.memory_space<vmem_shared>>
      tpu.enqueue_indirect_dma source(%arg13 : memref<125xf32, #tpu.memory_space<vmem>>) target(%dma_start3A_123 : memref<10000xf32, #tpu.memory_space<vmem_shared>>) offsets(%dma_start3A_121 : memref<125xi32, #tpu.memory_space<vmem>>) semaphore(%arg21 : memref<!tpu.dma_semaphore, #tpu.memory_space<semaphore_mem>>) {add = true}
      %add3A_124 = arith.constant 2 : i32
      %add3A_125 = arith.addi %add3A_106, %add3A_124 : i32
      %lt3A_126 = arith.constant 80 : i32
      %lt3A_127 = arith.cmpi slt, %add3A_125, %lt3A_126 : i32
      %convert_element_type3A_128 = arith.extui %lt3A_127 : i1 to i32
      %cond3A_129 = arith.constant 0 : i32
      %cond3A_130 = arith.cmpi ne, %convert_element_type3A_128, %cond3A_129 : i32
      scf.if %cond3A_130 {
        %add3A_131 = arith.constant 2 : i32
        %add3A_132 = arith.addi %add3A_106, %add3A_131 : i32
        %sub3A = arith.constant 2 : i32
        %sub3A_133 = arith.subi %add3A_132, %sub3A : i32
        %ge3A = arith.constant 0 : i32
        %ge3A_134 = arith.cmpi sge, %sub3A_133, %ge3A : i32
        %convert_element_type3A_135 = arith.extui %ge3A_134 : i1 to i32
        %cond3A_136 = arith.constant 0 : i32
        %cond3A_137 = arith.cmpi ne, %convert_element_type3A_135, %cond3A_136 : i32
        scf.if %cond3A_137 {
          %dma_wait3A_146 = arith.constant 0 : i32
          %dma_wait3A_147 = tpu.memref_slice %arg10[%sub3A_133, %dma_wait3A_146] : memref<80x125xi32, #tpu.memory_space<vmem>> -> memref<1x125xi32, #tpu.memory_space<vmem>>
          %dma_wait3A_148 = tpu.memref_squeeze %dma_wait3A_147 : memref<1x125xi32, #tpu.memory_space<vmem>> -> memref<125xi32, #tpu.memory_space<vmem>>
          %dma_wait3A_149 = arith.constant 0 : i32
          %dma_wait3A_150 = arith.constant 0 : i32
          %dma_wait3A_151 = tpu.memref_slice %arg15[%dma_wait3A_149, %dma_wait3A_150] : memref<10000x64xf32, #tpu.memory_space<vmem_shared>> -> memref<10000x64xf32, #tpu.memory_space<vmem_shared>>
          tpu.wait_indirect_dma semaphore(%arg21 : memref<!tpu.dma_semaphore, #tpu.memory_space<semaphore_mem>>) src(%arg12 : memref<125x64xf32, #tpu.memory_space<vmem>>) dst(%dma_wait3A_151 : memref<10000x64xf32, #tpu.memory_space<vmem_shared>>)
          %dma_wait3A_152 = arith.constant 0 : i32
          %dma_wait3A_153 = tpu.memref_slice %arg10[%sub3A_133, %dma_wait3A_152] : memref<80x125xi32, #tpu.memory_space<vmem>> -> memref<1x125xi32, #tpu.memory_space<vmem>>
          %dma_wait3A_154 = tpu.memref_squeeze %dma_wait3A_153 : memref<1x125xi32, #tpu.memory_space<vmem>> -> memref<125xi32, #tpu.memory_space<vmem>>
          %dma_wait3A_155 = arith.constant 0 : i32
          %dma_wait3A_156 = tpu.memref_slice %arg17[%dma_wait3A_155] : memref<10000xf32, #tpu.memory_space<vmem_shared>> -> memref<10000xf32, #tpu.memory_space<vmem_shared>>
          tpu.wait_indirect_dma semaphore(%arg21 : memref<!tpu.dma_semaphore, #tpu.memory_space<semaphore_mem>>) src(%arg13 : memref<125xf32, #tpu.memory_space<vmem>>) dst(%dma_wait3A_156 : memref<10000xf32, #tpu.memory_space<vmem_shared>>)
        } else {
        }
        %add3A_138 = arith.constant 2 : i32
        %add3A_139 = arith.addi %add3A_106, %add3A_138 : i32
        %dma_start3A_140 = arith.constant 0 : i32
        %dma_start3A_141 = tpu.memref_slice %arg9[%add3A_139, %dma_start3A_140] : memref<80x125xi32, #tpu.memory_space<vmem>> -> memref<1x125xi32, #tpu.memory_space<vmem>>
        %dma_start3A_142 = tpu.memref_squeeze %dma_start3A_141 : memref<1x125xi32, #tpu.memory_space<vmem>> -> memref<125xi32, #tpu.memory_space<vmem>>
        %dma_start3A_143 = arith.constant 0 : i32
        %dma_start3A_144 = arith.constant 0 : i32
        %dma_start3A_145 = tpu.memref_slice %arg16[%dma_start3A_143, %dma_start3A_144] : memref<10000x64xf32, #tpu.memory_space<vmem_shared>> -> memref<10000x64xf32, #tpu.memory_space<vmem_shared>>
        tpu.enqueue_indirect_dma source(%dma_start3A_145 : memref<10000x64xf32, #tpu.memory_space<vmem_shared>>) target(%arg12 : memref<125x64xf32, #tpu.memory_space<vmem>>) offsets(%dma_start3A_142 : memref<125xi32, #tpu.memory_space<vmem>>) semaphore(%arg19 : memref<!tpu.dma_semaphore, #tpu.memory_space<semaphore_mem>>)
      } else {
      }
    }
    %scan3A_32 = arith.constant 40 : i32
    %dma_wait3A = arith.constant 78 : i32
    %dma_wait3A_33 = arith.constant 0 : i32
    %dma_wait3A_34 = tpu.memref_slice %arg10[%dma_wait3A, %dma_wait3A_33] : memref<80x125xi32, #tpu.memory_space<vmem>> -> memref<1x125xi32, #tpu.memory_space<vmem>>
    %dma_wait3A_35 = tpu.memref_squeeze %dma_wait3A_34 : memref<1x125xi32, #tpu.memory_space<vmem>> -> memref<125xi32, #tpu.memory_space<vmem>>
    %dma_wait3A_36 = arith.constant 0 : i32
    %dma_wait3A_37 = arith.constant 0 : i32
    %dma_wait3A_38 = tpu.memref_slice %arg15[%dma_wait3A_36, %dma_wait3A_37] : memref<10000x64xf32, #tpu.memory_space<vmem_shared>> -> memref<10000x64xf32, #tpu.memory_space<vmem_shared>>
    tpu.wait_indirect_dma semaphore(%arg20 : memref<!tpu.dma_semaphore, #tpu.memory_space<semaphore_mem>>) src(%arg11 : memref<125x64xf32, #tpu.memory_space<vmem>>) dst(%dma_wait3A_38 : memref<10000x64xf32, #tpu.memory_space<vmem_shared>>)
    %dma_wait3A_39 = arith.constant 78 : i32
    %dma_wait3A_40 = arith.constant 0 : i32
    %dma_wait3A_41 = tpu.memref_slice %arg10[%dma_wait3A_39, %dma_wait3A_40] : memref<80x125xi32, #tpu.memory_space<vmem>> -> memref<1x125xi32, #tpu.memory_space<vmem>>
    %dma_wait3A_42 = tpu.memref_squeeze %dma_wait3A_41 : memref<1x125xi32, #tpu.memory_space<vmem>> -> memref<125xi32, #tpu.memory_space<vmem>>
    %dma_wait3A_43 = arith.constant 0 : i32
    %dma_wait3A_44 = tpu.memref_slice %arg17[%dma_wait3A_43] : memref<10000xf32, #tpu.memory_space<vmem_shared>> -> memref<10000xf32, #tpu.memory_space<vmem_shared>>
    tpu.wait_indirect_dma semaphore(%arg20 : memref<!tpu.dma_semaphore, #tpu.memory_space<semaphore_mem>>) src(%arg13 : memref<125xf32, #tpu.memory_space<vmem>>) dst(%dma_wait3A_44 : memref<10000xf32, #tpu.memory_space<vmem_shared>>)
    %dma_wait3A_45 = arith.constant 79 : i32
    %dma_wait3A_46 = arith.constant 0 : i32
    %dma_wait3A_47 = tpu.memref_slice %arg10[%dma_wait3A_45, %dma_wait3A_46] : memref<80x125xi32, #tpu.memory_space<vmem>> -> memref<1x125xi32, #tpu.memory_space<vmem>>
    %dma_wait3A_48 = tpu.memref_squeeze %dma_wait3A_47 : memref<1x125xi32, #tpu.memory_space<vmem>> -> memref<125xi32, #tpu.memory_space<vmem>>
    %dma_wait3A_49 = arith.constant 0 : i32
    %dma_wait3A_50 = arith.constant 0 : i32
    %dma_wait3A_51 = tpu.memref_slice %arg15[%dma_wait3A_49, %dma_wait3A_50] : memref<10000x64xf32, #tpu.memory_space<vmem_shared>> -> memref<10000x64xf32, #tpu.memory_space<vmem_shared>>
    tpu.wait_indirect_dma semaphore(%arg21 : memref<!tpu.dma_semaphore, #tpu.memory_space<semaphore_mem>>) src(%arg12 : memref<125x64xf32, #tpu.memory_space<vmem>>) dst(%dma_wait3A_51 : memref<10000x64xf32, #tpu.memory_space<vmem_shared>>)
    %dma_wait3A_52 = arith.constant 79 : i32
    %dma_wait3A_53 = arith.constant 0 : i32
    %dma_wait3A_54 = tpu.memref_slice %arg10[%dma_wait3A_52, %dma_wait3A_53] : memref<80x125xi32, #tpu.memory_space<vmem>> -> memref<1x125xi32, #tpu.memory_space<vmem>>
    %dma_wait3A_55 = tpu.memref_squeeze %dma_wait3A_54 : memref<1x125xi32, #tpu.memory_space<vmem>> -> memref<125xi32, #tpu.memory_space<vmem>>
    %dma_wait3A_56 = arith.constant 0 : i32
    %dma_wait3A_57 = tpu.memref_slice %arg17[%dma_wait3A_56] : memref<10000xf32, #tpu.memory_space<vmem_shared>> -> memref<10000xf32, #tpu.memory_space<vmem_shared>>
    tpu.wait_indirect_dma semaphore(%arg21 : memref<!tpu.dma_semaphore, #tpu.memory_space<semaphore_mem>>) src(%arg13 : memref<125xf32, #tpu.memory_space<vmem>>) dst(%dma_wait3A_57 : memref<10000xf32, #tpu.memory_space<vmem_shared>>)
    %barrier3A_58 = arith.constant 0 : index
    tpu.barrier barrier_id(%barrier3A_58)
    %add3A_59 = arith.constant 0 : i32
    %add3A_60 = arith.addi %mul3A_2, %add3A_59 : i32
    "tpu.region"() ({
      %run_scoped3A_74 = tpu.sem_alloc : memref<!tpu.dma_semaphore, #tpu.memory_space<semaphore_mem>>
      %dma_start3A_75 = arith.constant 0 : i32
      %dma_start3A_76 = tpu.memref_slice %arg15[%add3A_60, %dma_start3A_75] : memref<10000x64xf32, #tpu.memory_space<vmem_shared>> -> memref<125x64xf32, #tpu.memory_space<vmem_shared>>
      %dma_start3A_77 = arith.constant 0 : i32
      %dma_start3A_78 = tpu.memref_slice %arg15[%add3A_60, %dma_start3A_77] : memref<10000x64xf32, #tpu.memory_space<vmem_shared>> -> memref<125x64xf32, #tpu.memory_space<vmem_shared>>
      tpu.enqueue_dma source(%dma_start3A_78 : memref<125x64xf32, #tpu.memory_space<vmem_shared>>) target(%arg11 : memref<125x64xf32, #tpu.memory_space<vmem>>) target_semaphore(%run_scoped3A_74 : memref<!tpu.dma_semaphore, #tpu.memory_space<semaphore_mem>>)
      %dma_wait3A_79 = arith.constant 0 : i32
      %dma_wait3A_80 = tpu.memref_slice %arg15[%add3A_60, %dma_wait3A_79] : memref<10000x64xf32, #tpu.memory_space<vmem_shared>> -> memref<125x64xf32, #tpu.memory_space<vmem_shared>>
      %dma_wait3A_81 = arith.constant 0 : i32
      %dma_wait3A_82 = tpu.memref_slice %arg15[%add3A_60, %dma_wait3A_81] : memref<10000x64xf32, #tpu.memory_space<vmem_shared>> -> memref<125x64xf32, #tpu.memory_space<vmem_shared>>
      tpu.wait_dma2 semaphore(%run_scoped3A_74 : memref<!tpu.dma_semaphore, #tpu.memory_space<semaphore_mem>>) src(%dma_wait3A_82 : memref<125x64xf32, #tpu.memory_space<vmem_shared>>) dst(%arg11 : memref<125x64xf32, #tpu.memory_space<vmem>>)
      tpu.yield
    }) : () -> ()
    "tpu.region"() ({
      %run_scoped3A_74 = tpu.sem_alloc : memref<!tpu.dma_semaphore, #tpu.memory_space<semaphore_mem>>
      %dma_start3A_75 = arith.constant 0 : i32
      %dma_start3A_76 = tpu.memref_slice %arg7[%arg0, %add3A_60, %dma_start3A_75] : memref<2x10000x64xf32, #tpu.memory_space<hbm>> -> memref<1x125x64xf32, #tpu.memory_space<hbm>>
      %dma_start3A_77 = tpu.memref_squeeze %dma_start3A_76 : memref<1x125x64xf32, #tpu.memory_space<hbm>> -> memref<125x64xf32, #tpu.memory_space<hbm>>
      %dma_start3A_78 = arith.constant 0 : i32
      %dma_start3A_79 = tpu.memref_slice %arg7[%arg0, %add3A_60, %dma_start3A_78] : memref<2x10000x64xf32, #tpu.memory_space<hbm>> -> memref<1x125x64xf32, #tpu.memory_space<hbm>>
      %dma_start3A_80 = tpu.memref_squeeze %dma_start3A_79 : memref<1x125x64xf32, #tpu.memory_space<hbm>> -> memref<125x64xf32, #tpu.memory_space<hbm>>
      tpu.enqueue_dma source(%arg11 : memref<125x64xf32, #tpu.memory_space<vmem>>) target(%dma_start3A_80 : memref<125x64xf32, #tpu.memory_space<hbm>>) target_semaphore(%run_scoped3A_74 : memref<!tpu.dma_semaphore, #tpu.memory_space<semaphore_mem>>)
      %dma_wait3A_81 = arith.constant 0 : i32
      %dma_wait3A_82 = tpu.memref_slice %arg7[%arg0, %add3A_60, %dma_wait3A_81] : memref<2x10000x64xf32, #tpu.memory_space<hbm>> -> memref<1x125x64xf32, #tpu.memory_space<hbm>>
      %dma_wait3A_83 = tpu.memref_squeeze %dma_wait3A_82 : memref<1x125x64xf32, #tpu.memory_space<hbm>> -> memref<125x64xf32, #tpu.memory_space<hbm>>
      %dma_wait3A_84 = arith.constant 0 : i32
      %dma_wait3A_85 = tpu.memref_slice %arg7[%arg0, %add3A_60, %dma_wait3A_84] : memref<2x10000x64xf32, #tpu.memory_space<hbm>> -> memref<1x125x64xf32, #tpu.memory_space<hbm>>
      %dma_wait3A_86 = tpu.memref_squeeze %dma_wait3A_85 : memref<1x125x64xf32, #tpu.memory_space<hbm>> -> memref<125x64xf32, #tpu.memory_space<hbm>>
      tpu.wait_dma2 semaphore(%run_scoped3A_74 : memref<!tpu.dma_semaphore, #tpu.memory_space<semaphore_mem>>) src(%arg11 : memref<125x64xf32, #tpu.memory_space<vmem>>) dst(%dma_wait3A_86 : memref<125x64xf32, #tpu.memory_space<hbm>>)
      tpu.yield
    }) : () -> ()
    %add3A_61 = arith.constant 125 : i32
    %add3A_62 = arith.addi %mul3A_2, %add3A_61 : i32
    "tpu.region"() ({
      %run_scoped3A_74 = tpu.sem_alloc : memref<!tpu.dma_semaphore, #tpu.memory_space<semaphore_mem>>
      %dma_start3A_75 = arith.constant 0 : i32
      %dma_start3A_76 = tpu.memref_slice %arg15[%add3A_62, %dma_start3A_75] : memref<10000x64xf32, #tpu.memory_space<vmem_shared>> -> memref<125x64xf32, #tpu.memory_space<vmem_shared>>
      %dma_start3A_77 = arith.constant 0 : i32
      %dma_start3A_78 = tpu.memref_slice %arg15[%add3A_62, %dma_start3A_77] : memref<10000x64xf32, #tpu.memory_space<vmem_shared>> -> memref<125x64xf32, #tpu.memory_space<vmem_shared>>
      tpu.enqueue_dma source(%dma_start3A_78 : memref<125x64xf32, #tpu.memory_space<vmem_shared>>) target(%arg11 : memref<125x64xf32, #tpu.memory_space<vmem>>) target_semaphore(%run_scoped3A_74 : memref<!tpu.dma_semaphore, #tpu.memory_space<semaphore_mem>>)
      %dma_wait3A_79 = arith.constant 0 : i32
      %dma_wait3A_80 = tpu.memref_slice %arg15[%add3A_62, %dma_wait3A_79] : memref<10000x64xf32, #tpu.memory_space<vmem_shared>> -> memref<125x64xf32, #tpu.memory_space<vmem_shared>>
      %dma_wait3A_81 = arith.constant 0 : i32
      %dma_wait3A_82 = tpu.memref_slice %arg15[%add3A_62, %dma_wait3A_81] : memref<10000x64xf32, #tpu.memory_space<vmem_shared>> -> memref<125x64xf32, #tpu.memory_space<vmem_shared>>
      tpu.wait_dma2 semaphore(%run_scoped3A_74 : memref<!tpu.dma_semaphore, #tpu.memory_space<semaphore_mem>>) src(%dma_wait3A_82 : memref<125x64xf32, #tpu.memory_space<vmem_shared>>) dst(%arg11 : memref<125x64xf32, #tpu.memory_space<vmem>>)
      tpu.yield
    }) : () -> ()
    "tpu.region"() ({
      %run_scoped3A_74 = tpu.sem_alloc : memref<!tpu.dma_semaphore, #tpu.memory_space<semaphore_mem>>
      %dma_start3A_75 = arith.constant 0 : i32
      %dma_start3A_76 = tpu.memref_slice %arg7[%arg0, %add3A_62, %dma_start3A_75] : memref<2x10000x64xf32, #tpu.memory_space<hbm>> -> memref<1x125x64xf32, #tpu.memory_space<hbm>>
      %dma_start3A_77 = tpu.memref_squeeze %dma_start3A_76 : memref<1x125x64xf32, #tpu.memory_space<hbm>> -> memref<125x64xf32, #tpu.memory_space<hbm>>
      %dma_start3A_78 = arith.constant 0 : i32
      %dma_start3A_79 = tpu.memref_slice %arg7[%arg0, %add3A_62, %dma_start3A_78] : memref<2x10000x64xf32, #tpu.memory_space<hbm>> -> memref<1x125x64xf32, #tpu.memory_space<hbm>>
      %dma_start3A_80 = tpu.memref_squeeze %dma_start3A_79 : memref<1x125x64xf32, #tpu.memory_space<hbm>> -> memref<125x64xf32, #tpu.memory_space<hbm>>
      tpu.enqueue_dma source(%arg11 : memref<125x64xf32, #tpu.memory_space<vmem>>) target(%dma_start3A_80 : memref<125x64xf32, #tpu.memory_space<hbm>>) target_semaphore(%run_scoped3A_74 : memref<!tpu.dma_semaphore, #tpu.memory_space<semaphore_mem>>)
      %dma_wait3A_81 = arith.constant 0 : i32
      %dma_wait3A_82 = tpu.memref_slice %arg7[%arg0, %add3A_62, %dma_wait3A_81] : memref<2x10000x64xf32, #tpu.memory_space<hbm>> -> memref<1x125x64xf32, #tpu.memory_space<hbm>>
      %dma_wait3A_83 = tpu.memref_squeeze %dma_wait3A_82 : memref<1x125x64xf32, #tpu.memory_space<hbm>> -> memref<125x64xf32, #tpu.memory_space<hbm>>
      %dma_wait3A_84 = arith.constant 0 : i32
      %dma_wait3A_85 = tpu.memref_slice %arg7[%arg0, %add3A_62, %dma_wait3A_84] : memref<2x10000x64xf32, #tpu.memory_space<hbm>> -> memref<1x125x64xf32, #tpu.memory_space<hbm>>
      %dma_wait3A_86 = tpu.memref_squeeze %dma_wait3A_85 : memref<1x125x64xf32, #tpu.memory_space<hbm>> -> memref<125x64xf32, #tpu.memory_space<hbm>>
      tpu.wait_dma2 semaphore(%run_scoped3A_74 : memref<!tpu.dma_semaphore, #tpu.memory_space<semaphore_mem>>) src(%arg11 : memref<125x64xf32, #tpu.memory_space<vmem>>) dst(%dma_wait3A_86 : memref<125x64xf32, #tpu.memory_space<hbm>>)
      tpu.yield
    }) : () -> ()
    %add3A_63 = arith.constant 250 : i32
    %add3A_64 = arith.addi %mul3A_2, %add3A_63 : i32
    "tpu.region"() ({
      %run_scoped3A_74 = tpu.sem_alloc : memref<!tpu.dma_semaphore, #tpu.memory_space<semaphore_mem>>
      %dma_start3A_75 = arith.constant 0 : i32
      %dma_start3A_76 = tpu.memref_slice %arg15[%add3A_64, %dma_start3A_75] : memref<10000x64xf32, #tpu.memory_space<vmem_shared>> -> memref<125x64xf32, #tpu.memory_space<vmem_shared>>
      %dma_start3A_77 = arith.constant 0 : i32
      %dma_start3A_78 = tpu.memref_slice %arg15[%add3A_64, %dma_start3A_77] : memref<10000x64xf32, #tpu.memory_space<vmem_shared>> -> memref<125x64xf32, #tpu.memory_space<vmem_shared>>
      tpu.enqueue_dma source(%dma_start3A_78 : memref<125x64xf32, #tpu.memory_space<vmem_shared>>) target(%arg11 : memref<125x64xf32, #tpu.memory_space<vmem>>) target_semaphore(%run_scoped3A_74 : memref<!tpu.dma_semaphore, #tpu.memory_space<semaphore_mem>>)
      %dma_wait3A_79 = arith.constant 0 : i32
      %dma_wait3A_80 = tpu.memref_slice %arg15[%add3A_64, %dma_wait3A_79] : memref<10000x64xf32, #tpu.memory_space<vmem_shared>> -> memref<125x64xf32, #tpu.memory_space<vmem_shared>>
      %dma_wait3A_81 = arith.constant 0 : i32
      %dma_wait3A_82 = tpu.memref_slice %arg15[%add3A_64, %dma_wait3A_81] : memref<10000x64xf32, #tpu.memory_space<vmem_shared>> -> memref<125x64xf32, #tpu.memory_space<vmem_shared>>
      tpu.wait_dma2 semaphore(%run_scoped3A_74 : memref<!tpu.dma_semaphore, #tpu.memory_space<semaphore_mem>>) src(%dma_wait3A_82 : memref<125x64xf32, #tpu.memory_space<vmem_shared>>) dst(%arg11 : memref<125x64xf32, #tpu.memory_space<vmem>>)
      tpu.yield
    }) : () -> ()
    "tpu.region"() ({
      %run_scoped3A_74 = tpu.sem_alloc : memref<!tpu.dma_semaphore, #tpu.memory_space<semaphore_mem>>
      %dma_start3A_75 = arith.constant 0 : i32
      %dma_start3A_76 = tpu.memref_slice %arg7[%arg0, %add3A_64, %dma_start3A_75] : memref<2x10000x64xf32, #tpu.memory_space<hbm>> -> memref<1x125x64xf32, #tpu.memory_space<hbm>>
      %dma_start3A_77 = tpu.memref_squeeze %dma_start3A_76 : memref<1x125x64xf32, #tpu.memory_space<hbm>> -> memref<125x64xf32, #tpu.memory_space<hbm>>
      %dma_start3A_78 = arith.constant 0 : i32
      %dma_start3A_79 = tpu.memref_slice %arg7[%arg0, %add3A_64, %dma_start3A_78] : memref<2x10000x64xf32, #tpu.memory_space<hbm>> -> memref<1x125x64xf32, #tpu.memory_space<hbm>>
      %dma_start3A_80 = tpu.memref_squeeze %dma_start3A_79 : memref<1x125x64xf32, #tpu.memory_space<hbm>> -> memref<125x64xf32, #tpu.memory_space<hbm>>
      tpu.enqueue_dma source(%arg11 : memref<125x64xf32, #tpu.memory_space<vmem>>) target(%dma_start3A_80 : memref<125x64xf32, #tpu.memory_space<hbm>>) target_semaphore(%run_scoped3A_74 : memref<!tpu.dma_semaphore, #tpu.memory_space<semaphore_mem>>)
      %dma_wait3A_81 = arith.constant 0 : i32
      %dma_wait3A_82 = tpu.memref_slice %arg7[%arg0, %add3A_64, %dma_wait3A_81] : memref<2x10000x64xf32, #tpu.memory_space<hbm>> -> memref<1x125x64xf32, #tpu.memory_space<hbm>>
      %dma_wait3A_83 = tpu.memref_squeeze %dma_wait3A_82 : memref<1x125x64xf32, #tpu.memory_space<hbm>> -> memref<125x64xf32, #tpu.memory_space<hbm>>
      %dma_wait3A_84 = arith.constant 0 : i32
      %dma_wait3A_85 = tpu.memref_slice %arg7[%arg0, %add3A_64, %dma_wait3A_84] : memref<2x10000x64xf32, #tpu.memory_space<hbm>> -> memref<1x125x64xf32, #tpu.memory_space<hbm>>
      %dma_wait3A_86 = tpu.memref_squeeze %dma_wait3A_85 : memref<1x125x64xf32, #tpu.memory_space<hbm>> -> memref<125x64xf32, #tpu.memory_space<hbm>>
      tpu.wait_dma2 semaphore(%run_scoped3A_74 : memref<!tpu.dma_semaphore, #tpu.memory_space<semaphore_mem>>) src(%arg11 : memref<125x64xf32, #tpu.memory_space<vmem>>) dst(%dma_wait3A_86 : memref<125x64xf32, #tpu.memory_space<hbm>>)
      tpu.yield
    }) : () -> ()
    %add3A_65 = arith.constant 375 : i32
    %add3A_66 = arith.addi %mul3A_2, %add3A_65 : i32
    "tpu.region"() ({
      %run_scoped3A_74 = tpu.sem_alloc : memref<!tpu.dma_semaphore, #tpu.memory_space<semaphore_mem>>
      %dma_start3A_75 = arith.constant 0 : i32
      %dma_start3A_76 = tpu.memref_slice %arg15[%add3A_66, %dma_start3A_75] : memref<10000x64xf32, #tpu.memory_space<vmem_shared>> -> memref<125x64xf32, #tpu.memory_space<vmem_shared>>
      %dma_start3A_77 = arith.constant 0 : i32
      %dma_start3A_78 = tpu.memref_slice %arg15[%add3A_66, %dma_start3A_77] : memref<10000x64xf32, #tpu.memory_space<vmem_shared>> -> memref<125x64xf32, #tpu.memory_space<vmem_shared>>
      tpu.enqueue_dma source(%dma_start3A_78 : memref<125x64xf32, #tpu.memory_space<vmem_shared>>) target(%arg11 : memref<125x64xf32, #tpu.memory_space<vmem>>) target_semaphore(%run_scoped3A_74 : memref<!tpu.dma_semaphore, #tpu.memory_space<semaphore_mem>>)
      %dma_wait3A_79 = arith.constant 0 : i32
      %dma_wait3A_80 = tpu.memref_slice %arg15[%add3A_66, %dma_wait3A_79] : memref<10000x64xf32, #tpu.memory_space<vmem_shared>> -> memref<125x64xf32, #tpu.memory_space<vmem_shared>>
      %dma_wait3A_81 = arith.constant 0 : i32
      %dma_wait3A_82 = tpu.memref_slice %arg15[%add3A_66, %dma_wait3A_81] : memref<10000x64xf32, #tpu.memory_space<vmem_shared>> -> memref<125x64xf32, #tpu.memory_space<vmem_shared>>
      tpu.wait_dma2 semaphore(%run_scoped3A_74 : memref<!tpu.dma_semaphore, #tpu.memory_space<semaphore_mem>>) src(%dma_wait3A_82 : memref<125x64xf32, #tpu.memory_space<vmem_shared>>) dst(%arg11 : memref<125x64xf32, #tpu.memory_space<vmem>>)
      tpu.yield
    }) : () -> ()
    "tpu.region"() ({
      %run_scoped3A_74 = tpu.sem_alloc : memref<!tpu.dma_semaphore, #tpu.memory_space<semaphore_mem>>
      %dma_start3A_75 = arith.constant 0 : i32
      %dma_start3A_76 = tpu.memref_slice %arg7[%arg0, %add3A_66, %dma_start3A_75] : memref<2x10000x64xf32, #tpu.memory_space<hbm>> -> memref<1x125x64xf32, #tpu.memory_space<hbm>>
      %dma_start3A_77 = tpu.memref_squeeze %dma_start3A_76 : memref<1x125x64xf32, #tpu.memory_space<hbm>> -> memref<125x64xf32, #tpu.memory_space<hbm>>
      %dma_start3A_78 = arith.constant 0 : i32
      %dma_start3A_79 = tpu.memref_slice %arg7[%arg0, %add3A_66, %dma_start3A_78] : memref<2x10000x64xf32, #tpu.memory_space<hbm>> -> memref<1x125x64xf32, #tpu.memory_space<hbm>>
      %dma_start3A_80 = tpu.memref_squeeze %dma_start3A_79 : memref<1x125x64xf32, #tpu.memory_space<hbm>> -> memref<125x64xf32, #tpu.memory_space<hbm>>
      tpu.enqueue_dma source(%arg11 : memref<125x64xf32, #tpu.memory_space<vmem>>) target(%dma_start3A_80 : memref<125x64xf32, #tpu.memory_space<hbm>>) target_semaphore(%run_scoped3A_74 : memref<!tpu.dma_semaphore, #tpu.memory_space<semaphore_mem>>)
      %dma_wait3A_81 = arith.constant 0 : i32
      %dma_wait3A_82 = tpu.memref_slice %arg7[%arg0, %add3A_66, %dma_wait3A_81] : memref<2x10000x64xf32, #tpu.memory_space<hbm>> -> memref<1x125x64xf32, #tpu.memory_space<hbm>>
      %dma_wait3A_83 = tpu.memref_squeeze %dma_wait3A_82 : memref<1x125x64xf32, #tpu.memory_space<hbm>> -> memref<125x64xf32, #tpu.memory_space<hbm>>
      %dma_wait3A_84 = arith.constant 0 : i32
      %dma_wait3A_85 = tpu.memref_slice %arg7[%arg0, %add3A_66, %dma_wait3A_84] : memref<2x10000x64xf32, #tpu.memory_space<hbm>> -> memref<1x125x64xf32, #tpu.memory_space<hbm>>
      %dma_wait3A_86 = tpu.memref_squeeze %dma_wait3A_85 : memref<1x125x64xf32, #tpu.memory_space<hbm>> -> memref<125x64xf32, #tpu.memory_space<hbm>>
      tpu.wait_dma2 semaphore(%run_scoped3A_74 : memref<!tpu.dma_semaphore, #tpu.memory_space<semaphore_mem>>) src(%arg11 : memref<125x64xf32, #tpu.memory_space<vmem>>) dst(%dma_wait3A_86 : memref<125x64xf32, #tpu.memory_space<hbm>>)
      tpu.yield
    }) : () -> ()
    %add3A_67 = arith.constant 500 : i32
    %add3A_68 = arith.addi %mul3A_2, %add3A_67 : i32
    "tpu.region"() ({
      %run_scoped3A_74 = tpu.sem_alloc : memref<!tpu.dma_semaphore, #tpu.memory_space<semaphore_mem>>
      %dma_start3A_75 = arith.constant 0 : i32
      %dma_start3A_76 = tpu.memref_slice %arg15[%add3A_68, %dma_start3A_75] : memref<10000x64xf32, #tpu.memory_space<vmem_shared>> -> memref<125x64xf32, #tpu.memory_space<vmem_shared>>
      %dma_start3A_77 = arith.constant 0 : i32
      %dma_start3A_78 = tpu.memref_slice %arg15[%add3A_68, %dma_start3A_77] : memref<10000x64xf32, #tpu.memory_space<vmem_shared>> -> memref<125x64xf32, #tpu.memory_space<vmem_shared>>
      tpu.enqueue_dma source(%dma_start3A_78 : memref<125x64xf32, #tpu.memory_space<vmem_shared>>) target(%arg11 : memref<125x64xf32, #tpu.memory_space<vmem>>) target_semaphore(%run_scoped3A_74 : memref<!tpu.dma_semaphore, #tpu.memory_space<semaphore_mem>>)
      %dma_wait3A_79 = arith.constant 0 : i32
      %dma_wait3A_80 = tpu.memref_slice %arg15[%add3A_68, %dma_wait3A_79] : memref<10000x64xf32, #tpu.memory_space<vmem_shared>> -> memref<125x64xf32, #tpu.memory_space<vmem_shared>>
      %dma_wait3A_81 = arith.constant 0 : i32
      %dma_wait3A_82 = tpu.memref_slice %arg15[%add3A_68, %dma_wait3A_81] : memref<10000x64xf32, #tpu.memory_space<vmem_shared>> -> memref<125x64xf32, #tpu.memory_space<vmem_shared>>
      tpu.wait_dma2 semaphore(%run_scoped3A_74 : memref<!tpu.dma_semaphore, #tpu.memory_space<semaphore_mem>>) src(%dma_wait3A_82 : memref<125x64xf32, #tpu.memory_space<vmem_shared>>) dst(%arg11 : memref<125x64xf32, #tpu.memory_space<vmem>>)
      tpu.yield
    }) : () -> ()
    "tpu.region"() ({
      %run_scoped3A_74 = tpu.sem_alloc : memref<!tpu.dma_semaphore, #tpu.memory_space<semaphore_mem>>
      %dma_start3A_75 = arith.constant 0 : i32
      %dma_start3A_76 = tpu.memref_slice %arg7[%arg0, %add3A_68, %dma_start3A_75] : memref<2x10000x64xf32, #tpu.memory_space<hbm>> -> memref<1x125x64xf32, #tpu.memory_space<hbm>>
      %dma_start3A_77 = tpu.memref_squeeze %dma_start3A_76 : memref<1x125x64xf32, #tpu.memory_space<hbm>> -> memref<125x64xf32, #tpu.memory_space<hbm>>
      %dma_start3A_78 = arith.constant 0 : i32
      %dma_start3A_79 = tpu.memref_slice %arg7[%arg0, %add3A_68, %dma_start3A_78] : memref<2x10000x64xf32, #tpu.memory_space<hbm>> -> memref<1x125x64xf32, #tpu.memory_space<hbm>>
      %dma_start3A_80 = tpu.memref_squeeze %dma_start3A_79 : memref<1x125x64xf32, #tpu.memory_space<hbm>> -> memref<125x64xf32, #tpu.memory_space<hbm>>
      tpu.enqueue_dma source(%arg11 : memref<125x64xf32, #tpu.memory_space<vmem>>) target(%dma_start3A_80 : memref<125x64xf32, #tpu.memory_space<hbm>>) target_semaphore(%run_scoped3A_74 : memref<!tpu.dma_semaphore, #tpu.memory_space<semaphore_mem>>)
      %dma_wait3A_81 = arith.constant 0 : i32
      %dma_wait3A_82 = tpu.memref_slice %arg7[%arg0, %add3A_68, %dma_wait3A_81] : memref<2x10000x64xf32, #tpu.memory_space<hbm>> -> memref<1x125x64xf32, #tpu.memory_space<hbm>>
      %dma_wait3A_83 = tpu.memref_squeeze %dma_wait3A_82 : memref<1x125x64xf32, #tpu.memory_space<hbm>> -> memref<125x64xf32, #tpu.memory_space<hbm>>
      %dma_wait3A_84 = arith.constant 0 : i32
      %dma_wait3A_85 = tpu.memref_slice %arg7[%arg0, %add3A_68, %dma_wait3A_84] : memref<2x10000x64xf32, #tpu.memory_space<hbm>> -> memref<1x125x64xf32, #tpu.memory_space<hbm>>
      %dma_wait3A_86 = tpu.memref_squeeze %dma_wait3A_85 : memref<1x125x64xf32, #tpu.memory_space<hbm>> -> memref<125x64xf32, #tpu.memory_space<hbm>>
      tpu.wait_dma2 semaphore(%run_scoped3A_74 : memref<!tpu.dma_semaphore, #tpu.memory_space<semaphore_mem>>) src(%arg11 : memref<125x64xf32, #tpu.memory_space<vmem>>) dst(%dma_wait3A_86 : memref<125x64xf32, #tpu.memory_space<hbm>>)
      tpu.yield
    }) : () -> ()
    %lt3A_69 = arith.constant 10 : i32
    %lt3A_70 = arith.cmpi slt, %arg1, %lt3A_69 : i32
    %convert_element_type3A_71 = arith.extui %lt3A_70 : i1 to i32
    %cond3A_72 = arith.constant 0 : i32
    %cond3A_73 = arith.cmpi ne, %convert_element_type3A_71, %cond3A_72 : i32
    scf.if %cond3A_73 {
      %mul3A_74 = arith.constant 1000 : i32
      %mul3A_75 = arith.muli %arg1, %mul3A_74 : i32
      "tpu.region"() ({
        %run_scoped3A_78 = tpu.sem_alloc : memref<!tpu.dma_semaphore, #tpu.memory_space<semaphore_mem>>
        %dma_start3A_79 = tpu.memref_slice %arg17[%mul3A_75] : memref<10000xf32, #tpu.memory_space<vmem_shared>> -> memref<1000xf32, #tpu.memory_space<vmem_shared>>
        %dma_start3A_80 = tpu.memref_slice %arg17[%mul3A_75] : memref<10000xf32, #tpu.memory_space<vmem_shared>> -> memref<1000xf32, #tpu.memory_space<vmem_shared>>
        tpu.enqueue_dma source(%dma_start3A_80 : memref<1000xf32, #tpu.memory_space<vmem_shared>>) target(%arg14 : memref<1000xf32, #tpu.memory_space<vmem>>) target_semaphore(%run_scoped3A_78 : memref<!tpu.dma_semaphore, #tpu.memory_space<semaphore_mem>>)
        %dma_wait3A_81 = tpu.memref_slice %arg17[%mul3A_75] : memref<10000xf32, #tpu.memory_space<vmem_shared>> -> memref<1000xf32, #tpu.memory_space<vmem_shared>>
        %dma_wait3A_82 = tpu.memref_slice %arg17[%mul3A_75] : memref<10000xf32, #tpu.memory_space<vmem_shared>> -> memref<1000xf32, #tpu.memory_space<vmem_shared>>
        tpu.wait_dma2 semaphore(%run_scoped3A_78 : memref<!tpu.dma_semaphore, #tpu.memory_space<semaphore_mem>>) src(%dma_wait3A_82 : memref<1000xf32, #tpu.memory_space<vmem_shared>>) dst(%arg14 : memref<1000xf32, #tpu.memory_space<vmem>>)
        tpu.yield
      }) : () -> ()
      %mul3A_76 = arith.constant 1000 : i32
      %mul3A_77 = arith.muli %arg1, %mul3A_76 : i32
      "tpu.region"() ({
        %run_scoped3A_78 = tpu.sem_alloc : memref<!tpu.dma_semaphore, #tpu.memory_space<semaphore_mem>>
        %dma_start3A_79 = tpu.memref_slice %arg8[%arg0, %mul3A_77] : memref<2x10000xf32, #tpu.memory_space<hbm>> -> memref<1x1000xf32, #tpu.memory_space<hbm>>
        %dma_start3A_80 = tpu.memref_squeeze %dma_start3A_79 : memref<1x1000xf32, #tpu.memory_space<hbm>> -> memref<1000xf32, #tpu.memory_space<hbm>>
        %dma_start3A_81 = tpu.memref_slice %arg8[%arg0, %mul3A_77] : memref<2x10000xf32, #tpu.memory_space<hbm>> -> memref<1x1000xf32, #tpu.memory_space<hbm>>
        %dma_start3A_82 = tpu.memref_squeeze %dma_start3A_81 : memref<1x1000xf32, #tpu.memory_space<hbm>> -> memref<1000xf32, #tpu.memory_space<hbm>>
        tpu.enqueue_dma source(%arg14 : memref<1000xf32, #tpu.memory_space<vmem>>) target(%dma_start3A_82 : memref<1000xf32, #tpu.memory_space<hbm>>) target_semaphore(%run_scoped3A_78 : memref<!tpu.dma_semaphore, #tpu.memory_space<semaphore_mem>>)
        %dma_wait3A_83 = tpu.memref_slice %arg8[%arg0, %mul3A_77] : memref<2x10000xf32, #tpu.memory_space<hbm>> -> memref<1x1000xf32, #tpu.memory_space<hbm>>
        %dma_wait3A_84 = tpu.memref_squeeze %dma_wait3A_83 : memref<1x1000xf32, #tpu.memory_space<hbm>> -> memref<1000xf32, #tpu.memory_space<hbm>>
        %dma_wait3A_85 = tpu.memref_slice %arg8[%arg0, %mul3A_77] : memref<2x10000xf32, #tpu.memory_space<hbm>> -> memref<1x1000xf32, #tpu.memory_space<hbm>>
        %dma_wait3A_86 = tpu.memref_squeeze %dma_wait3A_85 : memref<1x1000xf32, #tpu.memory_space<hbm>> -> memref<1000xf32, #tpu.memory_space<hbm>>
        tpu.wait_dma2 semaphore(%run_scoped3A_78 : memref<!tpu.dma_semaphore, #tpu.memory_space<semaphore_mem>>) src(%arg14 : memref<1000xf32, #tpu.memory_space<vmem>>) dst(%dma_wait3A_86 : memref<1000xf32, #tpu.memory_space<hbm>>)
        tpu.yield
      }) : () -> ()
    } else {
    }
    return
  }
}

module attributes {stable_mosaic.version = 14 : i64} {
  func.func @body(%arg0: i32, %arg1: memref<1024x256xf32, #tpu.memory_space<vmem>>, %arg2: memref<256x128xf32, #tpu.memory_space<vmem>>, %arg3: memref<1024x128xf32, #tpu.memory_space<vmem>>) attributes {dimension_semantics = [#tpu.dimension_semantics<arbitrary>], iteration_bounds = array<i64: 5>, scalar_prefetch = 0 : i64, scratch_operands = 0 : i64, tpu.core_type = #tpu.core_type<tc>, window_params = [{transform_indices = @transform_0, window_bounds = array<i64: 1024, 256>}, {pipeline_mode = #tpu.pipeline_mode<synchronous>, transform_indices = @transform_1, window_bounds = array<i64: 256, 128>}, {transform_indices = @transform_2, window_bounds = array<i64: 1024, 128>}]} {
    %get3A = arith.constant 0 : index
    %get3A_0 = arith.constant 0 : index
    %get3A_1 = vector.load %arg1[%get3A, %get3A_0] : memref<1024x256xf32, #tpu.memory_space<vmem>>, vector<1024x256xf32>
    %get3A_2 = arith.constant 0 : index
    %get3A_3 = arith.constant 0 : index
    %get3A_4 = vector.load %arg2[%get3A_2, %get3A_3] : memref<256x128xf32, #tpu.memory_space<vmem>>, vector<256x128xf32>
    %dot_general3A = arith.constant dense<0.000000e+00> : vector<1024x128xf32>
    %dot_general3A_5 = tpu.matmul %get3A_1, %get3A_4, %dot_general3A {dimension_numbers = #tpu.dot_dimension_numbers<[1], [0], [0], [1], [0, 0, 1, 1], [], []>, transpose_lhs_hint = false} : vector<1024x256xf32>, vector<256x128xf32>, vector<1024x128xf32> -> vector<1024x128xf32>
    %swap3A = arith.constant 0 : index
    %swap3A_6 = arith.constant 0 : index
    %swap3A_7 = vector.load %arg3[%swap3A, %swap3A_6] : memref<1024x128xf32, #tpu.memory_space<vmem>>, vector<1024x128xf32>
    tpu.vector_store %arg3[%swap3A, %swap3A_6], %dot_general3A_5 {strides = array<i32>} : memref<1024x128xf32, #tpu.memory_space<vmem>>, vector<1024x128xf32>,
    return
  }
  func.func @transform_0(%arg0: i32) -> (i32, i32) {
    %c0_i32 = arith.constant 0 : i32
    %c0_i32_0 = arith.constant 0 : i32
    return %arg0, %c0_i32 : i32, i32
  }
  func.func @transform_1(%arg0: i32) -> (i32, i32) {
    %c0_i32 = arith.constant 0 : i32
    %c0_i32_0 = arith.constant 0 : i32
    %c0_i32_1 = arith.constant 0 : i32
    return %c0_i32, %c0_i32_0 : i32, i32
  }
  func.func @transform_2(%arg0: i32) -> (i32, i32) {
    %c0_i32 = arith.constant 0 : i32
    %c0_i32_0 = arith.constant 0 : i32
    return %arg0, %c0_i32 : i32, i32
  }
}

module attributes {stable_mosaic.version = 14 : i64} {
  func.func @body(%arg0: i32, %arg1: memref<2x1024x128xf32, #tpu.memory_space<vmem>>, %arg2: memref<1024x128xf32, #tpu.memory_space<vmem>>, %arg3: memref<1024x128xf32, #tpu.memory_space<vmem>>, %arg4: memref<1x128xf32, #tpu.memory_space<vmem>>, %arg5: memref<1x128xf32, #tpu.memory_space<vmem>>, %arg6: memref<128x64xf32, #tpu.memory_space<vmem>>, %arg7: memref<1024x64xf32, #tpu.memory_space<vmem>>) attributes {dimension_semantics = [#tpu.dimension_semantics<arbitrary>], iteration_bounds = array<i64: 5>, scalar_prefetch = 0 : i64, scratch_operands = 0 : i64, tpu.core_type = #tpu.core_type<tc>, window_params = [{transform_indices = @transform_0, window_bounds = array<i64: 2, 1024, 128>}, {transform_indices = @transform_1, window_bounds = array<i64: 1024, 128>}, {transform_indices = @transform_2, window_bounds = array<i64: 1024, 128>}, {pipeline_mode = #tpu.pipeline_mode<synchronous>, transform_indices = @transform_3, window_bounds = array<i64: 1, 128>}, {pipeline_mode = #tpu.pipeline_mode<synchronous>, transform_indices = @transform_4, window_bounds = array<i64: 1, 128>}, {pipeline_mode = #tpu.pipeline_mode<synchronous>, transform_indices = @transform_5, window_bounds = array<i64: 128, 64>}, {transform_indices = @transform_6, window_bounds = array<i64: 1024, 64>}]} {
    %get3A = arith.constant 0 : index
    %get3A_0 = arith.constant 0 : index
    %get3A_1 = arith.constant 0 : index
    %get3A_2 = vector.load %arg1[%get3A, %get3A_0, %get3A_1] : memref<2x1024x128xf32, #tpu.memory_space<vmem>>, vector<1x1024x128xf32>
    %get3A_3 = vector.shape_cast %get3A_2 : vector<1x1024x128xf32> to vector<1024x128xf32>
    %get3A_4 = arith.constant 1 : index
    %get3A_5 = arith.constant 0 : index
    %get3A_6 = arith.constant 0 : index
    %get3A_7 = vector.load %arg1[%get3A_4, %get3A_5, %get3A_6] : memref<2x1024x128xf32, #tpu.memory_space<vmem>>, vector<1x1024x128xf32>
    %get3A_8 = vector.shape_cast %get3A_7 : vector<1x1024x128xf32> to vector<1024x128xf32>
    %add3A = arith.addf %get3A_3, %get3A_8 : vector<1024x128xf32>
    %get3A_9 = arith.constant 0 : index
    %get3A_10 = arith.constant 0 : index
    %get3A_11 = vector.load %arg2[%get3A_9, %get3A_10] : memref<1024x128xf32, #tpu.memory_space<vmem>>, vector<1024x128xf32>
    %div3A = arith.divf %add3A, %get3A_11 : vector<1024x128xf32>
    %get3A_12 = arith.constant 0 : index
    %get3A_13 = arith.constant 0 : index
    %get3A_14 = vector.load %arg3[%get3A_12, %get3A_13] : memref<1024x128xf32, #tpu.memory_space<vmem>>, vector<1024x128xf32>
    %add3A_15 = arith.addf %div3A, %get3A_14 : vector<1024x128xf32>
    %get3A_16 = arith.constant 0 : index
    %get3A_17 = arith.constant 0 : index
    %get3A_18 = vector.load %arg4[%get3A_16, %get3A_17] : memref<1x128xf32, #tpu.memory_space<vmem>>, vector<1x128xf32>
    %mul3A = vector.broadcast %get3A_18 : vector<1x128xf32> to vector<1024x128xf32>
    %mul3A_19 = arith.mulf %add3A_15, %mul3A : vector<1024x128xf32>
    %get3A_20 = arith.constant 0 : index
    %get3A_21 = arith.constant 0 : index
    %get3A_22 = vector.load %arg5[%get3A_20, %get3A_21] : memref<1x128xf32, #tpu.memory_space<vmem>>, vector<1x128xf32>
    %add3A_23 = vector.broadcast %get3A_22 : vector<1x128xf32> to vector<1024x128xf32>
    %add3A_24 = arith.addf %mul3A_19, %add3A_23 : vector<1024x128xf32>
    %max3A = arith.constant 0.000000e+00 : f32
    %max3A_25 = vector.broadcast %max3A : f32 to vector<1024x128xf32>
    %max3A_26 = arith.maximumf %add3A_24, %max3A_25 : vector<1024x128xf32>
    %get3A_27 = arith.constant 0 : index
    %get3A_28 = arith.constant 0 : index
    %get3A_29 = vector.load %arg6[%get3A_27, %get3A_28] : memref<128x64xf32, #tpu.memory_space<vmem>>, vector<128x64xf32>
    %dot_general3A = arith.constant dense<0.000000e+00> : vector<1024x64xf32>
    %dot_general3A_30 = tpu.matmul %max3A_26, %get3A_29, %dot_general3A {dimension_numbers = #tpu.dot_dimension_numbers<[1], [0], [0], [1], [0, 0, 1, 1], [], []>, transpose_lhs_hint = false} : vector<1024x128xf32>, vector<128x64xf32>, vector<1024x64xf32> -> vector<1024x64xf32>
    %swap3A = arith.constant 0 : index
    %swap3A_31 = arith.constant 0 : index
    %swap3A_32 = vector.load %arg7[%swap3A, %swap3A_31] : memref<1024x64xf32, #tpu.memory_space<vmem>>, vector<1024x64xf32>
    tpu.vector_store %arg7[%swap3A, %swap3A_31], %dot_general3A_30 {strides = array<i32>} : memref<1024x64xf32, #tpu.memory_space<vmem>>, vector<1024x64xf32>,
    return
  }
  func.func @transform_0(%arg0: i32) -> (i32, i32, i32) {
    %c0_i32 = arith.constant 0 : i32
    %c0_i32_0 = arith.constant 0 : i32
    %c0_i32_1 = arith.constant 0 : i32
    return %c0_i32, %arg0, %c0_i32_0 : i32, i32, i32
  }
  func.func @transform_1(%arg0: i32) -> (i32, i32) {
    %c0_i32 = arith.constant 0 : i32
    %c0_i32_0 = arith.constant 0 : i32
    return %arg0, %c0_i32 : i32, i32
  }
  func.func @transform_2(%arg0: i32) -> (i32, i32) {
    %c0_i32 = arith.constant 0 : i32
    %c0_i32_0 = arith.constant 0 : i32
    return %arg0, %c0_i32 : i32, i32
  }
  func.func @transform_3(%arg0: i32) -> (i32, i32) {
    %c0_i32 = arith.constant 0 : i32
    %c0_i32_0 = arith.constant 0 : i32
    %c0_i32_1 = arith.constant 0 : i32
    return %c0_i32, %c0_i32_0 : i32, i32
  }
  func.func @transform_4(%arg0: i32) -> (i32, i32) {
    %c0_i32 = arith.constant 0 : i32
    %c0_i32_0 = arith.constant 0 : i32
    %c0_i32_1 = arith.constant 0 : i32
    return %c0_i32, %c0_i32_0 : i32, i32
  }
  func.func @transform_5(%arg0: i32) -> (i32, i32) {
    %c0_i32 = arith.constant 0 : i32
    %c0_i32_0 = arith.constant 0 : i32
    %c0_i32_1 = arith.constant 0 : i32
    return %c0_i32, %c0_i32_0 : i32, i32
  }
  func.func @transform_6(%arg0: i32) -> (i32, i32) {
    %c0_i32 = arith.constant 0 : i32
    %c0_i32_0 = arith.constant 0 : i32
    return %arg0, %c0_i32 : i32, i32
  }
}

module attributes {stable_mosaic.version = 14 : i64} {
  func.func @body(%arg0: i32, %arg1: memref<2x512x128xf32, #tpu.memory_space<vmem>>, %arg2: memref<512x128xf32, #tpu.memory_space<vmem>>, %arg3: memref<512x128xf32, #tpu.memory_space<vmem>>, %arg4: memref<1x128xf32, #tpu.memory_space<vmem>>, %arg5: memref<512x128xf32, #tpu.memory_space<vmem>>) attributes {dimension_semantics = [#tpu.dimension_semantics<arbitrary>], iteration_bounds = array<i64: 5>, scalar_prefetch = 0 : i64, scratch_operands = 0 : i64, tpu.core_type = #tpu.core_type<tc>, window_params = [{transform_indices = @transform_0, window_bounds = array<i64: 2, 512, 128>}, {transform_indices = @transform_1, window_bounds = array<i64: 512, 128>}, {transform_indices = @transform_2, window_bounds = array<i64: 512, 128>}, {pipeline_mode = #tpu.pipeline_mode<synchronous>, transform_indices = @transform_3, window_bounds = array<i64: 1, 128>}, {transform_indices = @transform_4, window_bounds = array<i64: 512, 128>}]} {
    %get3A = arith.constant 0 : index
    %get3A_0 = arith.constant 0 : index
    %get3A_1 = arith.constant 0 : index
    %get3A_2 = vector.load %arg1[%get3A, %get3A_0, %get3A_1] : memref<2x512x128xf32, #tpu.memory_space<vmem>>, vector<1x512x128xf32>
    %get3A_3 = vector.shape_cast %get3A_2 : vector<1x512x128xf32> to vector<512x128xf32>
    %get3A_4 = arith.constant 1 : index
    %get3A_5 = arith.constant 0 : index
    %get3A_6 = arith.constant 0 : index
    %get3A_7 = vector.load %arg1[%get3A_4, %get3A_5, %get3A_6] : memref<2x512x128xf32, #tpu.memory_space<vmem>>, vector<1x512x128xf32>
    %get3A_8 = vector.shape_cast %get3A_7 : vector<1x512x128xf32> to vector<512x128xf32>
    %add3A = arith.addf %get3A_3, %get3A_8 : vector<512x128xf32>
    %get3A_9 = arith.constant 0 : index
    %get3A_10 = arith.constant 0 : index
    %get3A_11 = vector.load %arg2[%get3A_9, %get3A_10] : memref<512x128xf32, #tpu.memory_space<vmem>>, vector<512x128xf32>
    %div3A = arith.divf %add3A, %get3A_11 : vector<512x128xf32>
    %get3A_12 = arith.constant 0 : index
    %get3A_13 = arith.constant 0 : index
    %get3A_14 = vector.load %arg3[%get3A_12, %get3A_13] : memref<512x128xf32, #tpu.memory_space<vmem>>, vector<512x128xf32>
    %add3A_15 = arith.addf %div3A, %get3A_14 : vector<512x128xf32>
    %get3A_16 = arith.constant 0 : index
    %get3A_17 = arith.constant 0 : index
    %get3A_18 = vector.load %arg4[%get3A_16, %get3A_17] : memref<1x128xf32, #tpu.memory_space<vmem>>, vector<1x128xf32>
    %add3A_19 = vector.broadcast %get3A_18 : vector<1x128xf32> to vector<512x128xf32>
    %add3A_20 = arith.addf %add3A_15, %add3A_19 : vector<512x128xf32>
    %swap3A = arith.constant 0 : index
    %swap3A_21 = arith.constant 0 : index
    %swap3A_22 = vector.load %arg5[%swap3A, %swap3A_21] : memref<512x128xf32, #tpu.memory_space<vmem>>, vector<512x128xf32>
    tpu.vector_store %arg5[%swap3A, %swap3A_21], %add3A_20 {strides = array<i32>} : memref<512x128xf32, #tpu.memory_space<vmem>>, vector<512x128xf32>,
    return
  }
  func.func @transform_0(%arg0: i32) -> (i32, i32, i32) {
    %c0_i32 = arith.constant 0 : i32
    %c0_i32_0 = arith.constant 0 : i32
    %c0_i32_1 = arith.constant 0 : i32
    return %c0_i32, %arg0, %c0_i32_0 : i32, i32, i32
  }
  func.func @transform_1(%arg0: i32) -> (i32, i32) {
    %c0_i32 = arith.constant 0 : i32
    %c0_i32_0 = arith.constant 0 : i32
    return %arg0, %c0_i32 : i32, i32
  }
  func.func @transform_2(%arg0: i32) -> (i32, i32) {
    %c0_i32 = arith.constant 0 : i32
    %c0_i32_0 = arith.constant 0 : i32
    return %arg0, %c0_i32 : i32, i32
  }
  func.func @transform_3(%arg0: i32) -> (i32, i32) {
    %c0_i32 = arith.constant 0 : i32
    %c0_i32_0 = arith.constant 0 : i32
    %c0_i32_1 = arith.constant 0 : i32
    return %c0_i32, %c0_i32_0 : i32, i32
  }
  func.func @transform_4(%arg0: i32) -> (i32, i32) {
    %c0_i32 = arith.constant 0 : i32
    %c0_i32_0 = arith.constant 0 : i32
    return %arg0, %c0_i32 : i32, i32
  }
}

</mosaic_0001>

<sc_bundles>
// kernel: kernel.12.cloned.1.call-start
scs
__scs_entry_jumppad:
0x0: {  	(pc) =	sbr.rel $0x88, $3  }
0x1: {  	(tag) =	ssettag $0x0;
	lr =	simm.s32 $0x1  }
0x2: {  	[smem:$0x3F97] =	sst lr;
	_ =	strace $0xD0000000  }
0x3: {  	_ = 	snop  }
0x4: {  	_ = 	snop  }
0x5: {  	_ = 	snop  }
0x6: {  	_ = 	snop  }
0x7: {  	_ = 	snop  }
__scs_overlays_trampoline_lowered:
0x8: {  	[smem:$0x3FA6] =	sst s0  }
0x9: {  	[smem:$0x3FA7] =	sst s1  }
0xa: {  	[smem:$0x3FA8] =	sst s2  }
0xb: {  	[smem:$0x3FA9] =	sst s3  }
0xc: {  	[smem:$0x3FAA] =	sst s4  }
0xd: {  	[smem:$0x3FAB] =	sst s5  }
0xe: {  	[smem:$0x3FAC] =	sst s6  }
0xf: {  	[smem:$0x3FAD] =	sst s7  }
0x10: {  	[smem:$0x3FAE] =	sst s8  }
0x11: {  	[smem:$0x3FAF] =	sst s9;
	s0 =	simm.s32 @!p0 $0x0  }
0x12: {  	s1 =	sld [smem:$0x3F95];
	s0 =	simm.s32 @p0 $0x1  }
0x13: {  	[smem:$0x3FB0] =	sst s0;
	s0 =	simm.s32 @!p1 $0x0  }
0x14: {  	s2 =	sld [smem:$0x3F94];
	s0 =	simm.s32 @p1 $0x1  }
0x15: {  	[smem:$0x3FB1] =	sst s0;
	s0 =	simm.s32 @!p2 $0x0  }
0x16: {  	s3 =	sld [smem:$0x3FDB];
	s0 =	simm.s32 @p2 $0x1  }
0x17: {  	s4 =	simm.s32 $0x1BF5;
	[smem:$0x3FB3] =	sst s0  }
0x18: {  	s0 =	sld [smem:$0x3F96];
	_ =	swait.ge [sflag:s4], $0x0  }
0x19: {  	s7 =	sld [smem:$0x3F97]  }
0x1a: {  	s8 =	sadd.s32 $0xFFFFE003, lr  }
0x1b: {  	s9 =	sadd.s32 $0xFFFFFEF7, lr;
	s5 =	simm.s32 $0xFFFFFFFF;
	p2 =	slt.u32 s8, $0xFFFFF086  }
0x1c: {  	p1 =	slt.u32 s9, $0xF7A;
	s5 =	simm.s32 @!p2 $0x0  }
0x1d: {  	s5 =	simm.s32 @p1 $0x1;
	p0 =	seq.s32 s7, s2  }
0x1e: {  	s7 =	smul.u32 @!p0 $0xF7A, s2;
	p2 =	seq.s32 @!p0 s5, $0x0  }
0x1f: {  	s9 =	smul.u32 $0xF7A, s1;
	s8 =	simm.s32 @!p0 $0x1BF5;
	p2 =	por !p2, p0  }
0x20: {  	[sflag:s8] =	ssyncset.s32 @!p0 $0xFFFFF086;
	s6 =	sadd.s32 @!p0 s3, s7;
	s7 =	simm.s32 @!p0 $0x108  }
0x21: {  	s3 =	sadd.s32 s3, s9;
	s6 =	sadd.s32 @!p0 $0x88, s6;
	s7 =	simm.s32 @p2 $0x1082  }
0x22: {  	[simem:s7], [sflag:s8] =	dma.local @!p0 [hbm:s6], $0xF7A  }
0x23: {  	s9 =	sor.u32 $0xD0000000, s2;
	s6 =	simm.s32 $0x108;
	_ =	swait.ge @!p0 [sflag:s8], $0x0  }
0x24: {  	s3 =	sadd.s32 $0x88, s3;
	s6 =	simm.s32 @!p1 $0x1082;
	[sflag:s4] =	ssyncset.s32 $0xFFFFF086  }
0x25: {  	[simem:s6], [sflag:s4] =	dma.local [hbm:s3], $0xF7A  }
0x26: {  	[smem:$0x3F97] =	sst s1;
	(tag) =	ssettag s2;
	_ =	strace s9  }
0x27: {  	s1 =	sld [smem:$0x3FA7]  }
0x28: {  	s2 =	sld [smem:$0x3FA8]  }
0x29: {  	s4 =	sld [smem:$0x3FAA]  }
0x2a: {  	p0 =	seq.s32 s5, $0x0;
	s5 =	sld [smem:$0x3FAB]  }
0x2b: {  	s6 =	sld [smem:$0x3FAC]  }
0x2c: {  	s7 =	sld [smem:$0x3FAD]  }
0x2d: {  	s3 =	simm.s32 $0x108;
	s8 =	sld [smem:$0x3FAE]  }
0x2e: {  	s3 =	simm.s32 @!p0 $0x1082;
	s9 =	sld [smem:$0x3FAF]  }
0x2f: {  	lr =	sadd.s32 s0, s3;
	s0 =	sld [smem:$0x3FA6]  }
0x30: {  	s3 =	sld [smem:$0x3FA9]  }
0x31: {  	[smem:$0x3FB2] =	sst s10  }
0x32: {  	s10 =	sld [smem:$0x3FB0];
	_ =	sdelay $0x3  }
0x33: {  	p0 =	seq.s32 s10, $0x1;
	s10 =	sld [smem:$0x3FB2];
	_ =	sdelay $0x3  }
0x34: {  	[smem:$0x3FB2] =	sst s10  }
0x35: {  	s10 =	sld [smem:$0x3FB1];
	_ =	sdelay $0x3  }
0x36: {  	p1 =	seq.s32 s10, $0x1;
	s10 =	sld [smem:$0x3FB2];
	_ =	sdelay $0x3  }
0x37: {  	[smem:$0x3FB2] =	sst s10  }
0x38: {  	s10 =	sld [smem:$0x3FB3]  }
0x39: {  	_ = 	snop;
	(pc) =	sbr.ind lr, $3  }
0x3a: {  	_ = 	snop  }
0x3b: {  	_ = 	snop  }
0x3c: {  	p2 =	seq.s32 s10, $0x1;
	s10 =	sld [smem:$0x3FB2]  }
0x3d: {  	_ =	shalt  }
0x3e: {  	_ =	shalt  }
0x3f: {  	_ =	shalt  }
0x40: {  	_ =	shalt  }
0x41: {  	_ =	shalt  }
0x42: {  	_ =	shalt  }
0x43: {  	_ =	shalt  }
0x44: {  	_ =	shalt  }
0x45: {  	_ =	shalt  }
0x46: {  	_ =	shalt  }
0x47: {  	_ =	shalt  }
0x48: {  	_ =	shalt  }
0x49: {  	_ =	shalt  }
0x4a: {  	_ =	shalt  }
0x4b: {  	_ =	shalt  }
0x4c: {  	_ =	shalt  }
0x4d: {  	_ =	shalt  }
0x4e: {  	_ =	shalt  }
0x4f: {  	_ =	shalt  }
0x50: {  	_ =	shalt  }
0x51: {  	_ =	shalt  }
0x52: {  	_ =	shalt  }
0x53: {  	_ =	shalt  }
0x54: {  	_ =	shalt  }
0x55: {  	_ =	shalt  }
0x56: {  	_ =	shalt  }
0x57: {  	_ =	shalt  }
0x58: {  	_ =	shalt  }
0x59: {  	_ =	shalt  }
0x5a: {  	_ =	shalt  }
0x5b: {  	_ =	shalt  }
0x5c: {  	_ =	shalt  }
0x5d: {  	_ =	shalt  }
0x5e: {  	_ =	shalt  }
0x5f: {  	_ =	shalt  }
0x60: {  	_ =	shalt  }
0x61: {  	_ =	shalt  }
0x62: {  	_ =	shalt  }
0x63: {  	_ =	shalt  }
0x64: {  	_ =	shalt  }
0x65: {  	_ =	shalt  }
0x66: {  	_ =	shalt  }
0x67: {  	_ =	shalt  }
0x68: {  	_ =	shalt  }
0x69: {  	_ =	shalt  }
0x6a: {  	_ =	shalt  }
0x6b: {  	_ =	shalt  }
0x6c: {  	_ =	shalt  }
0x6d: {  	_ =	shalt  }
0x6e: {  	_ =	shalt  }
0x6f: {  	_ =	shalt  }
0x70: {  	_ =	shalt  }
0x71: {  	_ =	shalt  }
0x72: {  	_ =	shalt  }
0x73: {  	_ =	shalt  }
0x74: {  	_ =	shalt  }
0x75: {  	_ =	shalt  }
0x76: {  	_ =	shalt  }
0x77: {  	_ =	shalt  }
0x78: {  	_ =	shalt  }
0x79: {  	_ =	shalt  }
0x7a: {  	_ =	shalt  }
0x7b: {  	_ =	shalt  }
0x7c: {  	_ =	shalt  }
0x7d: {  	_ =	shalt  }
0x7e: {  	_ =	shalt  }
0x7f: {  	_ =	shalt  }
0x80: {  	_ =	shalt  }
0x81: {  	_ =	shalt  }
0x82: {  	_ =	shalt  }
0x83: {  	_ =	shalt  }
0x84: {  	_ =	shalt  }
0x85: {  	_ =	shalt  }
0x86: {  	_ =	shalt  }
0x87: {  	_ =	shalt  }
.Lfunc_end0:
.L_simem_size_0:
called_computation.1_lowered:
.L_overlay_start_0:
0x88: {  	s2 =	sld [smem:$0x3FD9]  }
0x89: {  	s3 =	sld [smem:$0x3FFE];
	_ =	sdelay $0x1  }
0x8a: {  	s1 =	srdreg.scid  }
0x8b: {  	s0 =	sand.u32 $0x1, s1  }
0x8c: {  	s17 =	sshll.u32 s0, $0xA;
	s2 =	sadd.s32 s3, s2  }
0x8d: {  	s2 =	sadd.s32 s2, s17  }
0x8e: {  	[smem:$0x3FBE] =	sst s2  }
0x8f: {  	_ = 	snop  }
0x90: {  	s2 =	sld [smem:$0x3FD0];
	(tm) =	ssettm $0x1  }
0x91: {  	s18 =	sld [smem:$0x3FFB];
	_ =	sdelay $0x3  }
0x92: {  	_ =	strace s18  }
0x93: {  	s3 =	sld [smem:$0x3FFC];
	_ =	sdelay $0x3  }
0x94: {  	_ =	strace s3  }
0x95: {  	s3 =	sld [smem:$0x3FFD];
	_ =	sdelay $0x3  }
0x96: {  	_ =	strace s3  }
0x97: {  	_ =	strace $0x8FFFFFFF  }
0x98: {  	s19 =	sld [smem:$0x3FDB];
	_ =	sdelay $0x1  }
0x99: {  	s4 =	simm.s32 $_scs_section_size  }
0x9a: {  	s5 =	simm.s32 $_size__tile_overlayer_lowered;
	s6 =	simm.s32 $_tile_overlayer_lowered  }
0x9b: {  	s22 =	simm.s32 $0x1BFF;
	s21 =	sshll.u32 s6, $0x1;
	s3 =	sadd.s32 s4, s19  }
0x9c: {  	s7 =	simm.s32 $0x0;
	s20 =	sshll.u32 s5, $0x1;
	s5 =	sadd.s32 s21, s3  }
0x9d: {  	[timem:s7], [sflag:s22] =	dma.local [hbm:s5], s20  }
0x9e: {  	_ =	swait.ge [sflag:s22], s20  }
0x9f: {  	s4 =	ssub.s32 $0x0, s20;
	[sflag:s22] =	ssyncset.done $0x0  }
0xa0: {  	[sflag:s22] =	ssyncadd.s32 s4;
	_ =	sdelay $0x1  }
0xa1: {  	s23 =	simm.s32 $0x1B8B  }
0xa2: {  	_ =	swait.ge [sflag:s23], $0x1  }
0xa3: {  	[sflag:s23] =	ssyncset.done $0x0  }
0xa4: {  	s25 =	simm.s32 $0x1B8E;
	s24 =	sld [smem:$0x3FFE];
	[sflag:s23] =	ssyncadd.s32 $0xFFFFFFFF  }
0xa5: {  	s26 =	simm.s32 $execute0_lowered;
	[smem:$0x3FD2] =	sst s25  }
0xa6: {  	s5 =	sshll.u32 s26, $0x1;
	_ =	strace $0x80000049;
	[dreg:$0x1] =	wrdreg $0xFFFFFFFF  }
0xa7: {  	s28 =	simm.s32 $_size_execute0_lowered;
	s3 =	sadd.s32 s3, s5;
	[dreg:$0x0] =	wrdreg $0x0  }
0xa8: {  	s5 =	sshll.u32 s28, $0x1;
	[dreg:$0x2] =	wrdreg s3  }
0xa9: {  	[dreg:$0x3] =	wrdreg s5  }
0xaa: {  	[dreg:$0x4] =	wrdreg $0xC0  }
0xab: {  	_ =	task [dreg:s7], $0x5FFFF  }
0xac: {  	[dreg:$0x1] =	wrdreg $0xFFFFFFFF  }
0xad: {  	[dreg:$0x0] =	wrdreg $0x60  }
0xae: {  	[dreg:$0x2] =	wrdreg s2  }
0xaf: {  	[dreg:$0x3] =	wrdreg s24  }
0xb0: {  	[dreg:$0x4] =	wrdreg $0x6F400  }
0xb1: {  	[dreg:$0x5] =	wrdreg $0xBD600  }
0xb2: {  	[dreg:$0x6] =	wrdreg $0x9  }
0xb3: {  	_ =	task.clear_ibuf [dreg:s7], $0x7FFFF;
	_ =	strace $0x90000049  }
0xb4: {  	s29 =	simm.s32 $0x9;
	_ =	strace $0x8000004B  }
0xb5: {  	_ =	swait.ge [sflag:s29], $0x1  }
0xb6: {  	[sflag:s29] =	ssyncadd.s32 $0xFFFFFFFF  }
0xb7: {  	_ =	strace $0x9000004B  }
0xb8: {  	_ =	sfence  }
0xb9: {  	s30 =	sld [smem:$0x0];
	_ =	sdelay $0x2  }
0xba: {  	s31 =	sshll.u32 s1, $0xD;
	s1 =	sshrl.u32 s1, $0x2  }
0xbb: {  	s3 =	sand.u32 $0x4000, s31;
	s1 =	sadd.s32 s1, s30  }
0xbc: {  	s0 =	sor.u32 s3, s0;
	s1 =	sshll.u32 s1, $0x11  }
0xbd: {  	s0 =	sor.u32 s1, s0  }
0xbe: {  	s0 =	sadd.s32 $0x8F2B, s0  }
0xbf: {  	[sflag:s0] =	ssyncadd.remote.s32 $0x1  }
0xc0: {  	_ =	sfence.sel $0xFFFF  }
0xc1: {  	[dreg:$0x0] =	wrdreg $0xFFFFFFFF;
	(pc) =	sbr.abs _section_cstart, $3  }
0xc2: {  	[dreg:$0x1] =	wrdreg $0xFFFFFFFF  }
0xc3: {  	_ =	task.clear_ibuf [dreg:s7], $0x2FFFF;
	_ =	strace $0x9FFFFFFF  }
0xc4: {  	(tm) =	ssettm $0x7FFFFFFF  }
0xc5: {  	_ =	shalt  }
tec
execute0_lowered:
.L_overlay_start_1:
0x0: {  	(tag) =	ssettag $0x1  }
0x1: {  	s0 =	rddreg [dreg:$0x0]  }
0x2: {  	s1 =	rddreg [dreg:$0x1];
	s3 =	srdreg.scid  }
0x3: {  	s8 =	stileid.u32;
	s2 =	rddreg [dreg:$0x2]  }
0x4: {  	s28 =	simm.s32 $0x1;
	s29 =	simm.s32 $0x3;
	s30 =	simm.s32 $0x2  }
0x5: {  	s31 =	simm.s32 $0x4;
	s10 =	sand.u32 $0x1, s3;
	s4 =	sshll.u32 s8, $0x1  }
0x6: {  	s3 =	rddreg [dreg:$0x3];
	s13 =	smul.u32 $0x4E20, s8;
	s5 =	sor.u32 s10, s4  }
0x7: {  	s4 =	simm.s32 $0x0;
	s6 =	ssub.s32 $0x2, s10;
	s20 =	smul.u32 $0x4E200, s10  }
0x8: {  	s5 =	smul.u32 $0x2800, s5;
	[smem:$0x7FF] =	sst s4;
	s7 =	sshrl.u32 s6, $0x1  }
0x9: {  	s14 =	sadd.s32 $0xFA0, s13;
	s16 =	sadd.s32 $0x1F40, s13;
	s17 =	sadd.s32 $0x2EE0, s13  }
0xa: {  	s18 =	sadd.s32 $0x3E80, s13;
	s22 =	sadd.s32 s13, s3;
	_ =	strace $0x8000004A  }
0xb: {  	s19 =	ssub.s32 s6, s7;
	s6 =	sadd.s32 s13, s2;
	s7 =	sadd.s32 s14, s2  }
0xc: {  	s8 =	sadd.s32 s16, s2;
	s9 =	sadd.s32 s17, s2;
	s10 =	sadd.s32 s18, s2  }
0xd: {  	s15 =	sadd.s32 s13, s20;
	s14 =	sadd.s32 s20, s14;
	s13 =	sshrl.u32 s13, $0x3  }
0xe: {  	s23 =	sadd.s32 s20, s16;
	s24 =	sadd.s32 s20, s17;
	s25 =	sadd.s32 s20, s18  }
0xf: {  	s5 =	sshrl.u32 s5, $0x3;
	s15 =	sshrl.u32 s15, $0x3;
	s21 =	sshrl.u32 s14, $0x3  }
0x10: {  	s13 =	sadd.s32 s0, s13;
	s0 =	sshrl.u32 s23, $0x3;
	s26 =	sshrl.u32 s24, $0x3  }
0x11: {  	s20 =	sshrl.u32 s25, $0x3;
	s19 =	smax.u32 s19, $0x1;
	s23 =	sshrl.u32 s22, $0x3  }
0x12: {  	s24 =	simm.s32 $0x7D;
	s22 =	simm.s32 $0x0;
	s12 =	sadd.s32 s5, s1  }
0x13: {  	s5 =	sadd.s32 $0x2000, s1;
	s1 =	sadd.s32 $0x29E00, s1;
	s11 =	sadd.s32 $0x15A00, s12  }
0x14: {  	s12 =	sadd.s32 $0x1FA00, s12;
	s14 =	sadd.s32 s1, s15;
	s15 =	sadd.s32 s1, s21  }
0x15: {  	s16 =	sadd.s32 s1, s0;
	s17 =	sadd.s32 s1, s26;
	s18 =	sadd.s32 s1, s20  }
0x16: {  	s20 =	simm.s32 $0x5000;
	s21 =	simm.s32 $0x5;
	s26 =	simm.s32 $0x5FA0  }
.LBB2_1:
0x17: {  	[tilespmem:s20], [sflag:$0x5] =	stream.linear.gather [hbm4b:s5+s4], $0xFA0, $0x38;
	[tilespmem:$0x10B80] =	vst v63  }
0x18: {  	_ =	swait.ge [sflag:s21], $0xFA0  }
0x19: {  	[sflag:s21] =	ssyncset.done $0x0  }
0x1a: {  	[sflag:s21] =	ssyncadd.s32 $0xFFFFF060  }
0x1b: {  	[spmem:s6] =	stream.linear.scatter [tilespmem:s20], [sflag:$0x5], $0xFA0, $0x38;
	[tilespmem:$0x10B80] =	vst v63  }
0x1c: {  	_ =	swait.ge [sflag:s21], $0xFA0  }
0x1d: {  	[sflag:s21] =	ssyncset.done $0x0  }
0x1e: {  	[sflag:s21] =	ssyncadd.s32 $0xFFFFF060  }
0x1f: {  	[spmem:s7] =	stream.linear.scatter [tilespmem:s20], [sflag:$0x5], $0xFA0, $0x38;
	[tilespmem:$0x10B80] =	vst v63  }
0x20: {  	_ =	swait.ge [sflag:s21], $0xFA0  }
0x21: {  	[sflag:s21] =	ssyncset.done $0x0  }
0x22: {  	[sflag:s21] =	ssyncadd.s32 $0xFFFFF060  }
0x23: {  	[spmem:s8] =	stream.linear.scatter [tilespmem:s20], [sflag:$0x5], $0xFA0, $0x38;
	[tilespmem:$0x10B80] =	vst v63  }
0x24: {  	_ =	swait.ge [sflag:s21], $0xFA0  }
0x25: {  	[sflag:s21] =	ssyncset.done $0x0  }
0x26: {  	[sflag:s21] =	ssyncadd.s32 $0xFFFFF060  }
0x27: {  	[spmem:s9] =	stream.linear.scatter [tilespmem:s20], [sflag:$0x5], $0xFA0, $0x38;
	[tilespmem:$0x10B80] =	vst v63  }
0x28: {  	_ =	swait.ge [sflag:s21], $0xFA0  }
0x29: {  	[sflag:s21] =	ssyncset.done $0x0  }
0x2a: {  	[sflag:s21] =	ssyncadd.s32 $0xFFFFF060  }
0x2b: {  	[spmem:s10] =	stream.linear.scatter [tilespmem:s20], [sflag:$0x5], $0xFA0, $0x38;
	[tilespmem:$0x10B80] =	vst v63  }
0x2c: {  	_ =	swait.ge [sflag:s21], $0xFA0  }
0x2d: {  	[sflag:s21] =	ssyncset.done $0x0  }
0x2e: {  	[sflag:s21] =	ssyncadd.s32 $0xFFFFF060  }
0x2f: {  	[tilespmem:s4], [sflag:$0x5] =	stream.linear.gather [hbm4b:s11+s4], $0x2800, $0x38;
	[tilespmem:$0x10B80] =	vst v63  }
0x30: {  	_ =	swait.ge [sflag:s21], $0x2800  }
0x31: {  	[sflag:s21] =	ssyncset.done $0x0  }
0x32: {  	s0 =	simm.s32 $0x2800;
	[sflag:s21] =	ssyncadd.s32 $0xFFFFD800  }
0x33: {  	[tilespmem:s0], [sflag:$0x5] =	stream.linear.gather [hbm4b:s12+s4], $0x2800, $0x38;
	[tilespmem:$0x10B80] =	vst v63  }
0x34: {  	s25 =	stileid.u32;
	_ =	swait.ge [sflag:s21], $0x2800  }
0x35: {  	s1 =	sshll.u32 s25, $0x6;
	[sflag:s21] =	ssyncset.done $0x0  }
0x36: {  	s1 =	sor.u32 $0x1C05, s1;
	[sflag:s21] =	ssyncadd.s32 $0xFFFFD800  }
0x37: {  	[spmem:s23], [sflag:s1] =	dma.local [hbm:s13], $0x9C4  }
0x38: {  	_ =	swait.ge [sflag:s21], $0x9C4  }
0x39: {  	[sflag:s21] =	ssyncset.done $0x0  }
0x3a: {  	[sflag:s21] =	ssyncadd.s32 $0xFFFFF63C  }
0x3b: {  	[bflag:$0x0] =	sbarrier.arrive $0xFFFF  }
0x3c: {  	[tilespmem:s20], [sflag:$0x1] =	stream.indirect.gather [spmem:s3], $0x20, s4, s24, $0xb8;
	[tilespmem:$0x10B80] =	vst v63  }
0x3d: {  	s1 =	simm.s32 $0x80  }
0x3e: {  	[tilespmem:s26], [sflag:$0x2] =	stream.indirect.gather [spmem:s3], $0x20, s1, s24, $0xb8;
	[tilespmem:$0x10B80] =	vst v63  }
0x3f: {  	_ =	swait.ge [sflag:s28], $0xFA0  }
0x40: {  	[sflag:s28] =	ssyncset.done $0x0  }
0x41: {  	s25 =	simm.s32 $0x2800;
	[sflag:s28] =	ssyncadd.s32 $0xFFFFF060  }
0x42: {  	[spmem:s2] =	stream.indirect.scatter.add.f32 [tilespmem:s20], [sflag:$0x3], $0x20, s25, s24, $0xb8;
	[tilespmem:$0x10B80] =	vst v63  }
0x43: {  	_ =	swait.ge [sflag:s29], $0xFA0  }
0x44: {  	[sflag:s29] =	ssyncset.done $0x0  }
0x45: {  	s0 =	simm.s32 $0x100;
	[sflag:s29] =	ssyncadd.s32 $0xFFFFF060  }
0x46: {  	[tilespmem:s20], [sflag:$0x1] =	stream.indirect.gather [spmem:s3], $0x20, s0, s24, $0xb8;
	[tilespmem:$0x10B80] =	vst v63  }
0x47: {  	_ =	swait.ge [sflag:s30], $0xFA0  }
0x48: {  	[sflag:s30] =	ssyncset.done $0x0  }
0x49: {  	s25 =	simm.s32 $0x2880;
	[sflag:s30] =	ssyncadd.s32 $0xFFFFF060  }
0x4a: {  	[spmem:s2] =	stream.indirect.scatter.add.f32 [tilespmem:s26], [sflag:$0x4], $0x20, s25, s24, $0xb8;
	[tilespmem:$0x10B80] =	vst v63  }
0x4b: {  	_ =	swait.ge [sflag:s31], $0xFA0  }
0x4c: {  	[sflag:s31] =	ssyncset.done $0x0  }
0x4d: {  	s1 =	simm.s32 $0x180;
	s25 =	simm.s32 $0x400;
	[sflag:s31] =	ssyncadd.s32 $0xFFFFF060  }
.LBB2_2:
0x4e: {  	[tilespmem:s26], [sflag:$0x2] =	stream.indirect.gather [spmem:s3], $0x20, s1, s24, $0xb8;
	[tilespmem:$0x10B80] =	vst v63  }
0x4f: {  	s1 =	smov.u32 s25  }
0x50: {  	p0 =	sne.s32 s25, $0x9800;
	s25 =	sadd.s32 $0x400, s25;
	_ =	swait.ge [sflag:s28], $0xFA0  }
0x51: {  	s1 =	sshra.s32 s1, $0x2;
	[sflag:s28] =	ssyncset.done $0x0  }
0x52: {  	s0 =	sadd.s32 $0x2800, s1;
	[sflag:s28] =	ssyncadd.s32 $0xFFFFF060  }
0x53: {  	[spmem:s2] =	stream.indirect.scatter.add.f32 [tilespmem:s20], [sflag:$0x3], $0x20, s0, s24, $0xb8;
	[tilespmem:$0x10B80] =	vst v63  }
0x54: {  	_ =	swait.ge [sflag:s29], $0xFA0  }
0x55: {  	[sflag:s29] =	ssyncset.done $0x0  }
0x56: {  	s0 =	sadd.s32 $0x100, s1;
	[sflag:s29] =	ssyncadd.s32 $0xFFFFF060  }
0x57: {  	[tilespmem:s20], [sflag:$0x1] =	stream.indirect.gather [spmem:s3], $0x20, s0, s24, $0xb8;
	[tilespmem:$0x10B80] =	vst v63  }
0x58: {  	_ =	swait.ge [sflag:s30], $0xFA0  }
0x59: {  	[sflag:s30] =	ssyncset.done $0x0  }
.Ltmp0:
0x5a: {  	s0 =	sadd.s32 $0x2880, s1;
	[sflag:s30] =	ssyncadd.s32 $0xFFFFF060;
	(pc) =	sbr.rel @p0 .LBB2_2-.Ltmp0, $4  }
0x5b: {  	[spmem:s2] =	stream.indirect.scatter.add.f32 [tilespmem:s26], [sflag:$0x4], $0x20, s0, s24, $0xb8;
	[tilespmem:$0x10B80] =	vst v63  }
0x5c: {  	_ =	swait.ge [sflag:s31], $0xFA0  }
0x5d: {  	[sflag:s31] =	ssyncset.done $0x0  }
0x5e: {  	s1 =	sadd.s32 $0x180, s1;
	[sflag:s31] =	ssyncadd.s32 $0xFFFFF060  }
0x5f: {  	[tilespmem:s26], [sflag:$0x2] =	stream.indirect.gather [spmem:s3], $0x20, s1, s24, $0xb8;
	[tilespmem:$0x10B80] =	vst v63  }
0x60: {  	_ =	swait.ge [sflag:s28], $0xFA0  }
0x61: {  	[sflag:s28] =	ssyncset.done $0x0  }
0x62: {  	s0 =	simm.s32 $0x4F00;
	[sflag:s28] =	ssyncadd.s32 $0xFFFFF060  }
0x63: {  	[spmem:s2] =	stream.indirect.scatter.add.f32 [tilespmem:s20], [sflag:$0x3], $0x20, s0, s24, $0xb8;
	[tilespmem:$0x10B80] =	vst v63  }
0x64: {  	_ =	swait.ge [sflag:s30], $0xFA0  }
0x65: {  	[sflag:s30] =	ssyncset.done $0x0  }
0x66: {  	s25 =	simm.s32 $0x4F80;
	[sflag:s30] =	ssyncadd.s32 $0xFFFFF060  }
0x67: {  	[spmem:s2] =	stream.indirect.scatter.add.f32 [tilespmem:s26], [sflag:$0x4], $0x20, s25, s24, $0xb8;
	[tilespmem:$0x10B80] =	vst v63  }
0x68: {  	_ =	swait.ge [sflag:s29], $0xFA0  }
0x69: {  	[sflag:s29] =	ssyncset.done $0x0  }
0x6a: {  	[sflag:s29] =	ssyncadd.s32 $0xFFFFF060  }
0x6b: {  	_ =	swait.ge [sflag:s31], $0xFA0  }
0x6c: {  	[sflag:s31] =	ssyncset.done $0x0  }
0x6d: {  	[sflag:s31] =	ssyncadd.s32 $0xFFFFF060  }
0x6e: {  	[bflag:$0x0] =	sbarrier.arrive $0xFFFF  }
0x6f: {  	[tilespmem:s20], [sflag:$0x5] =	stream.linear.gather [spmem:s6], $0xFA0, $0x38;
	[tilespmem:$0x10B80] =	vst v63  }
0x70: {  	_ =	swait.ge [sflag:s21], $0xFA0  }
0x71: {  	[sflag:s21] =	ssyncset.done $0x0  }
0x72: {  	[sflag:s21] =	ssyncadd.s32 $0xFFFFF060  }
0x73: {  	[hbm4b:s14+s4] =	stream.linear.scatter [tilespmem:s20], [sflag:$0x5], $0xFA0, $0x38;
	[tilespmem:$0x10B80] =	vst v63  }
0x74: {  	_ =	swait.ge [sflag:s21], $0xFA0  }
0x75: {  	[sflag:s21] =	ssyncset.done $0x0  }
0x76: {  	[sflag:s21] =	ssyncadd.s32 $0xFFFFF060  }
0x77: {  	[tilespmem:s20], [sflag:$0x5] =	stream.linear.gather [spmem:s7], $0xFA0, $0x38;
	[tilespmem:$0x10B80] =	vst v63  }
0x78: {  	_ =	swait.ge [sflag:s21], $0xFA0  }
0x79: {  	[sflag:s21] =	ssyncset.done $0x0  }
0x7a: {  	[sflag:s21] =	ssyncadd.s32 $0xFFFFF060  }
0x7b: {  	[hbm4b:s15+s4] =	stream.linear.scatter [tilespmem:s20], [sflag:$0x5], $0xFA0, $0x38;
	[tilespmem:$0x10B80] =	vst v63  }
0x7c: {  	_ =	swait.ge [sflag:s21], $0xFA0  }
0x7d: {  	[sflag:s21] =	ssyncset.done $0x0  }
0x7e: {  	[sflag:s21] =	ssyncadd.s32 $0xFFFFF060  }
0x7f: {  	[tilespmem:s20], [sflag:$0x5] =	stream.linear.gather [spmem:s8], $0xFA0, $0x38;
	[tilespmem:$0x10B80] =	vst v63  }
0x80: {  	_ =	swait.ge [sflag:s21], $0xFA0  }
0x81: {  	[sflag:s21] =	ssyncset.done $0x0  }
0x82: {  	[sflag:s21] =	ssyncadd.s32 $0xFFFFF060  }
0x83: {  	[hbm4b:s16+s4] =	stream.linear.scatter [tilespmem:s20], [sflag:$0x5], $0xFA0, $0x38;
	[tilespmem:$0x10B80] =	vst v63  }
0x84: {  	_ =	swait.ge [sflag:s21], $0xFA0  }
0x85: {  	[sflag:s21] =	ssyncset.done $0x0  }
0x86: {  	[sflag:s21] =	ssyncadd.s32 $0xFFFFF060  }
0x87: {  	[tilespmem:s20], [sflag:$0x5] =	stream.linear.gather [spmem:s9], $0xFA0, $0x38;
	[tilespmem:$0x10B80] =	vst v63  }
0x88: {  	_ =	swait.ge [sflag:s21], $0xFA0  }
0x89: {  	[sflag:s21] =	ssyncset.done $0x0  }
0x8a: {  	[sflag:s21] =	ssyncadd.s32 $0xFFFFF060  }
0x8b: {  	[hbm4b:s17+s4] =	stream.linear.scatter [tilespmem:s20], [sflag:$0x5], $0xFA0, $0x38;
	[tilespmem:$0x10B80] =	vst v63  }
0x8c: {  	_ =	swait.ge [sflag:s21], $0xFA0  }
0x8d: {  	[sflag:s21] =	ssyncset.done $0x0  }
0x8e: {  	[sflag:s21] =	ssyncadd.s32 $0xFFFFF060  }
0x8f: {  	[tilespmem:s20], [sflag:$0x5] =	stream.linear.gather [spmem:s10], $0xFA0, $0x38;
	[tilespmem:$0x10B80] =	vst v63  }
0x90: {  	s22 =	sadd.s32 $0x1, s22;
	_ =	swait.ge [sflag:s21], $0xFA0  }
0x91: {  	p0 =	sne.s32 s22, s19;
	[sflag:s21] =	ssyncset.done $0x0  }
.Ltmp1:
0x92: {  	[sflag:s21] =	ssyncadd.s32 $0xFFFFF060;
	(pc) =	sbr.rel @p0 .LBB2_1-.Ltmp1, $4  }
0x93: {  	[hbm4b:s18+s4] =	stream.linear.scatter [tilespmem:s20], [sflag:$0x5], $0xFA0, $0x38;
	[tilespmem:$0x10B80] =	vst v63  }
0x94: {  	_ =	swait.ge [sflag:s21], $0xFA0  }
0x95: {  	[sflag:s21] =	ssyncset.done $0x0  }
0x96: {  	[sflag:s21] =	ssyncadd.s32 $0xFFFFF060  }
0x97: {  	_ =	sfence.sel $0x180000  }
0x98: {  	[bflag:$0x0] =	sbarrier.arrive $0xFFFF  }
0x99: {  	_ =	strace $0x9000004A  }
0x9a: {  	s0 =	stileid.u32;
	[bflag:$0x2] =	sbarrier.arrive $0xFFFF  }
0x9b: {  	p0 =	sne.s32 s0, $0x0;
	s0 =	rddreg [dreg:$0x4]  }
0x9c: {  	s0 =	sadd.s32 @!p0 $0x100000, s0  }
0x9d: {  	[sflag:s0] =	ssyncadd.tile.s32 @!p0 $0x1;
	_ =	shalt  }
.Lfunc_end2:
_tile_overlayer_lowered:
.L_overlay_start_2:
0x9e: {  	(tag) =	ssettag $0x2  }
0x9f: {  	s0 =	rddreg [dreg:$0x0];
	s2 =	stileid.u32  }
0xa0: {  	s1 =	rddreg [dreg:$0x1];
	p0 =	sne.s32 s2, $0x0  }
0xa1: {  	s3 =	rddreg [dreg:$0x2];
	[bflag:$0x3] =	sbarrier.arrive $0xFFFF;
	s2 =	simm.s32 @!p0 $0x1C05  }
0xa2: {  	[timem:s3], [sflag:s2] =	dma.local @!p0 [hbm:s0], s1  }
0xa3: {  	s0 =	simm.s32 @!p0 $0x5  }
0xa4: {  	_ =	swait.ge @!p0 [sflag:s0], s1  }
0xa5: {  	s1 =	ssub.s32 @!p0 $0x0, s1;
	[sflag:s0] =	ssyncset.done @!p0 $0x0  }
0xa6: {  	[sflag:s0] =	ssyncadd.s32 @!p0 s1  }
0xa7: {  	[bflag:$0x3] =	sbarrier.arrive $0xFFFF  }
0xa8: {  	_ =	shalt  }

// kernel: kernel.9.cloned.1.call-start
scs
__scs_entry_jumppad:
0x0: {  	(pc) =	sbr.rel $0x88, $3  }
0x1: {  	(tag) =	ssettag $0x0;
	lr =	simm.s32 $0x1  }
0x2: {  	[smem:$0x3F97] =	sst lr;
	_ =	strace $0xD0000000  }
0x3: {  	_ = 	snop  }
0x4: {  	_ = 	snop  }
0x5: {  	_ = 	snop  }
0x6: {  	_ = 	snop  }
0x7: {  	_ = 	snop  }
__scs_overlays_trampoline_lowered:
0x8: {  	[smem:$0x3FA6] =	sst s0  }
0x9: {  	[smem:$0x3FA7] =	sst s1  }
0xa: {  	[smem:$0x3FA8] =	sst s2  }
0xb: {  	[smem:$0x3FA9] =	sst s3  }
0xc: {  	[smem:$0x3FAA] =	sst s4  }
0xd: {  	[smem:$0x3FAB] =	sst s5  }
0xe: {  	[smem:$0x3FAC] =	sst s6  }
0xf: {  	[smem:$0x3FAD] =	sst s7  }
0x10: {  	[smem:$0x3FAE] =	sst s8  }
0x11: {  	[smem:$0x3FAF] =	sst s9;
	s0 =	simm.s32 @!p0 $0x0  }
0x12: {  	s1 =	sld [smem:$0x3F95];
	s0 =	simm.s32 @p0 $0x1  }
0x13: {  	[smem:$0x3FB0] =	sst s0;
	s0 =	simm.s32 @!p1 $0x0  }
0x14: {  	s2 =	sld [smem:$0x3F94];
	s0 =	simm.s32 @p1 $0x1  }
0x15: {  	[smem:$0x3FB1] =	sst s0;
	s0 =	simm.s32 @!p2 $0x0  }
0x16: {  	s3 =	sld [smem:$0x3FDB];
	s0 =	simm.s32 @p2 $0x1  }
0x17: {  	s4 =	simm.s32 $0x1BF5;
	[smem:$0x3FB3] =	sst s0  }
0x18: {  	s0 =	sld [smem:$0x3F96];
	_ =	swait.ge [sflag:s4], $0x0  }
0x19: {  	s7 =	sld [smem:$0x3F97]  }
0x1a: {  	s8 =	sadd.s32 $0xFFFFE003, lr  }
0x1b: {  	s9 =	sadd.s32 $0xFFFFFEF7, lr;
	s5 =	simm.s32 $0xFFFFFFFF;
	p2 =	slt.u32 s8, $0xFFFFF086  }
0x1c: {  	p1 =	slt.u32 s9, $0xF7A;
	s5 =	simm.s32 @!p2 $0x0  }
0x1d: {  	s5 =	simm.s32 @p1 $0x1;
	p0 =	seq.s32 s7, s2  }
0x1e: {  	s7 =	smul.u32 @!p0 $0xF7A, s2;
	p2 =	seq.s32 @!p0 s5, $0x0  }
0x1f: {  	s9 =	smul.u32 $0xF7A, s1;
	s8 =	simm.s32 @!p0 $0x1BF5;
	p2 =	por !p2, p0  }
0x20: {  	[sflag:s8] =	ssyncset.s32 @!p0 $0xFFFFF086;
	s6 =	sadd.s32 @!p0 s3, s7;
	s7 =	simm.s32 @!p0 $0x108  }
0x21: {  	s3 =	sadd.s32 s3, s9;
	s6 =	sadd.s32 @!p0 $0x88, s6;
	s7 =	simm.s32 @p2 $0x1082  }
0x22: {  	[simem:s7], [sflag:s8] =	dma.local @!p0 [hbm:s6], $0xF7A  }
0x23: {  	s9 =	sor.u32 $0xD0000000, s2;
	s6 =	simm.s32 $0x108;
	_ =	swait.ge @!p0 [sflag:s8], $0x0  }
0x24: {  	s3 =	sadd.s32 $0x88, s3;
	s6 =	simm.s32 @!p1 $0x1082;
	[sflag:s4] =	ssyncset.s32 $0xFFFFF086  }
0x25: {  	[simem:s6], [sflag:s4] =	dma.local [hbm:s3], $0xF7A  }
0x26: {  	[smem:$0x3F97] =	sst s1;
	(tag) =	ssettag s2;
	_ =	strace s9  }
0x27: {  	s1 =	sld [smem:$0x3FA7]  }
0x28: {  	s2 =	sld [smem:$0x3FA8]  }
0x29: {  	s4 =	sld [smem:$0x3FAA]  }
0x2a: {  	p0 =	seq.s32 s5, $0x0;
	s5 =	sld [smem:$0x3FAB]  }
0x2b: {  	s6 =	sld [smem:$0x3FAC]  }
0x2c: {  	s7 =	sld [smem:$0x3FAD]  }
0x2d: {  	s3 =	simm.s32 $0x108;
	s8 =	sld [smem:$0x3FAE]  }
0x2e: {  	s3 =	simm.s32 @!p0 $0x1082;
	s9 =	sld [smem:$0x3FAF]  }
0x2f: {  	lr =	sadd.s32 s0, s3;
	s0 =	sld [smem:$0x3FA6]  }
0x30: {  	s3 =	sld [smem:$0x3FA9]  }
0x31: {  	[smem:$0x3FB2] =	sst s10  }
0x32: {  	s10 =	sld [smem:$0x3FB0];
	_ =	sdelay $0x3  }
0x33: {  	p0 =	seq.s32 s10, $0x1;
	s10 =	sld [smem:$0x3FB2];
	_ =	sdelay $0x3  }
0x34: {  	[smem:$0x3FB2] =	sst s10  }
0x35: {  	s10 =	sld [smem:$0x3FB1];
	_ =	sdelay $0x3  }
0x36: {  	p1 =	seq.s32 s10, $0x1;
	s10 =	sld [smem:$0x3FB2];
	_ =	sdelay $0x3  }
0x37: {  	[smem:$0x3FB2] =	sst s10  }
0x38: {  	s10 =	sld [smem:$0x3FB3]  }
0x39: {  	_ = 	snop;
	(pc) =	sbr.ind lr, $3  }
0x3a: {  	_ = 	snop  }
0x3b: {  	_ = 	snop  }
0x3c: {  	p2 =	seq.s32 s10, $0x1;
	s10 =	sld [smem:$0x3FB2]  }
0x3d: {  	_ =	shalt  }
0x3e: {  	_ =	shalt  }
0x3f: {  	_ =	shalt  }
0x40: {  	_ =	shalt  }
0x41: {  	_ =	shalt  }
0x42: {  	_ =	shalt  }
0x43: {  	_ =	shalt  }
0x44: {  	_ =	shalt  }
0x45: {  	_ =	shalt  }
0x46: {  	_ =	shalt  }
0x47: {  	_ =	shalt  }
0x48: {  	_ =	shalt  }
0x49: {  	_ =	shalt  }
0x4a: {  	_ =	shalt  }
0x4b: {  	_ =	shalt  }
0x4c: {  	_ =	shalt  }
0x4d: {  	_ =	shalt  }
0x4e: {  	_ =	shalt  }
0x4f: {  	_ =	shalt  }
0x50: {  	_ =	shalt  }
0x51: {  	_ =	shalt  }
0x52: {  	_ =	shalt  }
0x53: {  	_ =	shalt  }
0x54: {  	_ =	shalt  }
0x55: {  	_ =	shalt  }
0x56: {  	_ =	shalt  }
0x57: {  	_ =	shalt  }
0x58: {  	_ =	shalt  }
0x59: {  	_ =	shalt  }
0x5a: {  	_ =	shalt  }
0x5b: {  	_ =	shalt  }
0x5c: {  	_ =	shalt  }
0x5d: {  	_ =	shalt  }
0x5e: {  	_ =	shalt  }
0x5f: {  	_ =	shalt  }
0x60: {  	_ =	shalt  }
0x61: {  	_ =	shalt  }
0x62: {  	_ =	shalt  }
0x63: {  	_ =	shalt  }
0x64: {  	_ =	shalt  }
0x65: {  	_ =	shalt  }
0x66: {  	_ =	shalt  }
0x67: {  	_ =	shalt  }
0x68: {  	_ =	shalt  }
0x69: {  	_ =	shalt  }
0x6a: {  	_ =	shalt  }
0x6b: {  	_ =	shalt  }
0x6c: {  	_ =	shalt  }
0x6d: {  	_ =	shalt  }
0x6e: {  	_ =	shalt  }
0x6f: {  	_ =	shalt  }
0x70: {  	_ =	shalt  }
0x71: {  	_ =	shalt  }
0x72: {  	_ =	shalt  }
0x73: {  	_ =	shalt  }
0x74: {  	_ =	shalt  }
0x75: {  	_ =	shalt  }
0x76: {  	_ =	shalt  }
0x77: {  	_ =	shalt  }
0x78: {  	_ =	shalt  }
0x79: {  	_ =	shalt  }
0x7a: {  	_ =	shalt  }
0x7b: {  	_ =	shalt  }
0x7c: {  	_ =	shalt  }
0x7d: {  	_ =	shalt  }
0x7e: {  	_ =	shalt  }
0x7f: {  	_ =	shalt  }
0x80: {  	_ =	shalt  }
0x81: {  	_ =	shalt  }
0x82: {  	_ =	shalt  }
0x83: {  	_ =	shalt  }
0x84: {  	_ =	shalt  }
0x85: {  	_ =	shalt  }
0x86: {  	_ =	shalt  }
0x87: {  	_ =	shalt  }
.Lfunc_end0:
.L_simem_size_0:
called_computation_lowered:
.L_overlay_start_0:
0x88: {  	s2 =	sld [smem:$0x3FD9]  }
0x89: {  	s3 =	sld [smem:$0x3FFE];
	_ =	sdelay $0x1  }
0x8a: {  	s1 =	srdreg.scid  }
0x8b: {  	s0 =	sand.u32 $0x1, s1  }
0x8c: {  	s17 =	sshll.u32 s0, $0xA;
	s2 =	sadd.s32 s3, s2  }
0x8d: {  	s2 =	sadd.s32 s2, s17  }
0x8e: {  	[smem:$0x3FBE] =	sst s2  }
0x8f: {  	_ = 	snop  }
0x90: {  	s2 =	sld [smem:$0x3FD0];
	(tm) =	ssettm $0x1  }
0x91: {  	s18 =	sld [smem:$0x3FFB];
	_ =	sdelay $0x3  }
0x92: {  	_ =	strace s18  }
0x93: {  	s3 =	sld [smem:$0x3FFC];
	_ =	sdelay $0x3  }
0x94: {  	_ =	strace s3  }
0x95: {  	s3 =	sld [smem:$0x3FFD];
	_ =	sdelay $0x3  }
0x96: {  	_ =	strace s3  }
0x97: {  	_ =	strace $0x8FFFFFFF  }
0x98: {  	s19 =	sld [smem:$0x3FDB];
	_ =	sdelay $0x1  }
0x99: {  	s4 =	simm.s32 $_scs_section_size  }
0x9a: {  	s5 =	simm.s32 $_size__tile_overlayer_lowered;
	s6 =	simm.s32 $_tile_overlayer_lowered  }
0x9b: {  	s22 =	simm.s32 $0x1BFF;
	s21 =	sshll.u32 s6, $0x1;
	s3 =	sadd.s32 s4, s19  }
0x9c: {  	s7 =	simm.s32 $0x0;
	s20 =	sshll.u32 s5, $0x1;
	s5 =	sadd.s32 s21, s3  }
0x9d: {  	[timem:s7], [sflag:s22] =	dma.local [hbm:s5], s20  }
0x9e: {  	_ =	swait.ge [sflag:s22], s20  }
0x9f: {  	s4 =	ssub.s32 $0x0, s20;
	[sflag:s22] =	ssyncset.done $0x0  }
0xa0: {  	[sflag:s22] =	ssyncadd.s32 s4;
	_ =	sdelay $0x1  }
0xa1: {  	s23 =	simm.s32 $0x1B8B  }
0xa2: {  	_ =	swait.ge [sflag:s23], $0x1  }
0xa3: {  	[sflag:s23] =	ssyncset.done $0x0  }
0xa4: {  	s25 =	simm.s32 $0x1B8E;
	s24 =	sld [smem:$0x3FFE];
	[sflag:s23] =	ssyncadd.s32 $0xFFFFFFFF  }
0xa5: {  	s26 =	simm.s32 $execute0_lowered;
	[smem:$0x3FD2] =	sst s25  }
0xa6: {  	s5 =	sshll.u32 s26, $0x1;
	_ =	strace $0x80000046;
	[dreg:$0x1] =	wrdreg $0xFFFFFFFF  }
0xa7: {  	s28 =	simm.s32 $_size_execute0_lowered;
	s3 =	sadd.s32 s3, s5;
	[dreg:$0x0] =	wrdreg $0x0  }
0xa8: {  	s5 =	sshll.u32 s28, $0x1;
	[dreg:$0x2] =	wrdreg s3  }
0xa9: {  	[dreg:$0x3] =	wrdreg s5  }
0xaa: {  	[dreg:$0x4] =	wrdreg $0xC0  }
0xab: {  	_ =	task [dreg:s7], $0x5FFFF  }
0xac: {  	[dreg:$0x1] =	wrdreg $0xFFFFFFFF  }
0xad: {  	[dreg:$0x0] =	wrdreg $0x60  }
0xae: {  	[dreg:$0x2] =	wrdreg s24  }
0xaf: {  	[dreg:$0x3] =	wrdreg s2  }
0xb0: {  	[dreg:$0x4] =	wrdreg $0x92E80  }
0xb1: {  	[dreg:$0x5] =	wrdreg $0x1CB680  }
0xb2: {  	[dreg:$0x6] =	wrdreg $0x12F280  }
0xb3: {  	[dreg:$0x7] =	wrdreg $0x9  }
0xb4: {  	_ =	task.clear_ibuf [dreg:s7], $0x8FFFF;
	_ =	strace $0x90000046  }
0xb5: {  	s29 =	simm.s32 $0x9;
	_ =	strace $0x80000048  }
0xb6: {  	_ =	swait.ge [sflag:s29], $0x1  }
0xb7: {  	[sflag:s29] =	ssyncadd.s32 $0xFFFFFFFF  }
0xb8: {  	_ =	strace $0x90000048  }
0xb9: {  	_ =	sfence  }
0xba: {  	s30 =	sld [smem:$0x0];
	_ =	sdelay $0x2  }
0xbb: {  	s31 =	sshll.u32 s1, $0xD;
	s1 =	sshrl.u32 s1, $0x2  }
0xbc: {  	s3 =	sand.u32 $0x4000, s31;
	s1 =	sadd.s32 s1, s30  }
0xbd: {  	s0 =	sor.u32 s3, s0;
	s1 =	sshll.u32 s1, $0x11  }
0xbe: {  	s0 =	sor.u32 s1, s0  }
0xbf: {  	s0 =	sadd.s32 $0x8F2B, s0  }
0xc0: {  	[sflag:s0] =	ssyncadd.remote.s32 $0x1  }
0xc1: {  	_ =	sfence.sel $0xFFFF  }
0xc2: {  	[dreg:$0x0] =	wrdreg $0xFFFFFFFF;
	(pc) =	sbr.abs _section_cstart, $3  }
0xc3: {  	[dreg:$0x1] =	wrdreg $0xFFFFFFFF  }
0xc4: {  	_ =	task.clear_ibuf [dreg:s7], $0x2FFFF;
	_ =	strace $0x9FFFFFFF  }
0xc5: {  	(tm) =	ssettm $0x7FFFFFFF  }
tec
execute0_lowered:
.L_overlay_start_1:
0x0: {  	(tag) =	ssettag $0x1  }
0x1: {  	s0 =	rddreg [dreg:$0x0]  }
0x2: {  	s2 =	rddreg [dreg:$0x1]  }
0x3: {  	s26 =	stileid.u32;
	s3 =	srdreg.scid  }
0x4: {  	s1 =	rddreg [dreg:$0x2];
	s28 =	simm.s32 $0x5000;
	s29 =	simm.s32 $0x5  }
0x5: {  	s31 =	simm.s32 $0x8E80;
	s30 =	simm.s32 $0x1;
	s6 =	sand.u32 $0x1, s3  }
0x6: {  	s4 =	sshll.u32 s26, $0x1;
	s3 =	rddreg [dreg:$0x3];
	s7 =	smul.u32 $0x9C40, s26  }
0x7: {  	s10 =	sadd.s32 $0x29C00, s0;
	s19 =	sadd.s32 $0x29E00, s0;
	s11 =	sadd.s32 $0x29A00, s0  }
0x8: {  	p0 =	sgt.u32 s26, $0x9;
	s5 =	sor.u32 s6, s4;
	s12 =	smul.u32 $0x9C400, s6  }
0x9: {  	s4 =	rddreg [dreg:$0x4];
	s20 =	ssub.s32 $0x2, s6;
	s6 =	smul.u32 $0x2710, s6  }
0xa: {  	s8 =	smul.u32 $0x2800, s5;
	s5 =	simm.s32 $0x0;
	s9 =	sshrl.u32 s7, $0x3  }
0xb: {  	s21 =	sshrl.u32 s20, $0x1;
	s22 =	sadd.s32 $0x1F40, s7;
	s13 =	sadd.s32 $0x3E80, s7  }
0xc: {  	s16 =	sadd.s32 $0x5DC0, s7;
	s17 =	sadd.s32 $0x7D00, s7;
	[smem:$0x7FF] =	sst s5  }
0xd: {  	s9 =	sadd.s32 s9, s0;
	s14 =	sadd.s32 s7, s12;
	s15 =	sadd.s32 s12, s22  }
0xe: {  	s18 =	sadd.s32 s12, s13;
	s25 =	sadd.s32 s12, s16;
	s12 =	sadd.s32 s12, s17  }
0xf: {  	s16 =	sadd.s32 s16, s1;
	_ =	strace $0x80000047;
	[dreg:$0x6] =	wrdreg s10  }
0x10: {  	s17 =	sadd.s32 s17, s1;
	s8 =	sshrl.u32 s8, $0x3;
	[dreg:$0x7] =	wrdreg s19  }
0x11: {  	[dreg:$0x8] =	wrdreg s11;
	s10 =	ssub.s32 s20, s21;
	s14 =	sshrl.u32 s14, $0x3  }
0x12: {  	s15 =	sshrl.u32 s15, $0x3;
	s18 =	sshrl.u32 s18, $0x3;
	s12 =	sshrl.u32 s12, $0x3  }
0x13: {  	s11 =	simm.s32 $0x0;
	s8 =	sadd.s32 s8, s0;
	s0 =	sadd.s32 $0x2A200, s0  }
0x14: {  	s14 =	sadd.s32 s0, s14;
	s23 =	sadd.s32 s0, s15;
	s24 =	sadd.s32 s0, s18  }
0x15: {  	s15 =	sadd.s32 s13, s1;
	s20 =	sadd.s32 $0x15A00, s8;
	[dreg:$0x9] =	wrdreg s14  }
0x16: {  	s21 =	sadd.s32 $0x1FA00, s8;
	s18 =	sadd.s32 s7, s4;
	[dreg:$0xa] =	wrdreg s23  }
0x17: {  	s8 =	simm.s32 $0x4;
	[dreg:$0xb] =	wrdreg s24;
	s24 =	smul.u32 $0x3E8, s26  }
0x18: {  	s14 =	sshrl.u32 s25, $0x3;
	s23 =	sadd.s32 $0x2000, s9;
	s25 =	smax.u32 s10, $0x1  }
0x19: {  	s9 =	simm.s32 $0x4F00;
	s10 =	simm.s32 $0x4F80;
	s14 =	sadd.s32 s0, s14  }
0x1a: {  	s0 =	sadd.s32 s0, s12;
	s12 =	smul.u32 $0xFA0, s26;
	[dreg:$0xc] =	wrdreg s14  }
0x1b: {  	s26 =	sshrl.u32 s18, $0x3;
	[dreg:$0xd] =	wrdreg s0;
	s14 =	sadd.s32 s22, s1  }
0x1c: {  	s6 =	sadd.s32 s24, s6;
	s22 =	sadd.s32 s7, s1;
	s24 =	sadd.s32 s24, s3  }
0x1d: {  	s7 =	simm.s32 $0x2;
	s0 =	sshrl.u32 s12, $0x2;
	s6 =	sshrl.u32 s6, $0x3  }
0x1e: {  	s0 =	sadd.s32 s0, s3;
	s19 =	sadd.s32 s2, s6;
	s2 =	simm.s32 $0x6F40  }
0x1f: {  	s6 =	simm.s32 $0x3;
	[dreg:$0xe] =	wrdreg s0;
	s0 =	simm.s32 $0x7D  }
.LBB2_1:
0x20: {  	s12 =	rddreg [dreg:$0x7]  }
0x21: {  	[tilespmem:s28], [sflag:$0x5] =	stream.linear.gather [hbm4b:s12+s5], $0x1F40, $0x38;
	[tilespmem:$0x1CDE0] =	vst v63  }
0x22: {  	_ =	swait.ge [sflag:s29], $0x1F40  }
0x23: {  	[sflag:s29] =	ssyncset.done $0x0  }
0x24: {  	s13 =	simm.s32 $0x8F00;
	s18 =	rddreg [dreg:$0x8];
	[sflag:s29] =	ssyncadd.s32 $0xFFFFE0C0  }
0x25: {  	[tilespmem:s13], [sflag:$0x5] =	stream.linear.gather [hbm4b:s18+s5], $0x3E8, $0x38;
	[tilespmem:$0x1CDE0] =	vst v63  }
0x26: {  	_ =	swait.ge [sflag:s29], $0x3E8  }
0x27: {  	[sflag:s29] =	ssyncset.done $0x0  }
0x28: {  	[sflag:s29] =	ssyncadd.s32 $0xFFFFFC18  }
0x29: {  	[spmem:s22] =	stream.linear.scatter [tilespmem:s28], [sflag:$0x5], $0x1F40, $0x38;
	[tilespmem:$0x1CDE0] =	vst v63  }
0x2a: {  	_ =	swait.ge [sflag:s29], $0x1F40  }
0x2b: {  	[sflag:s29] =	ssyncset.done $0x0  }
0x2c: {  	[sflag:s29] =	ssyncadd.s32 $0xFFFFE0C0  }
0x2d: {  	[spmem:s14] =	stream.linear.scatter [tilespmem:s28], [sflag:$0x5], $0x1F40, $0x38;
	[tilespmem:$0x1CDE0] =	vst v63  }
0x2e: {  	_ =	swait.ge [sflag:s29], $0x1F40  }
0x2f: {  	[sflag:s29] =	ssyncset.done $0x0  }
0x30: {  	[sflag:s29] =	ssyncadd.s32 $0xFFFFE0C0  }
0x31: {  	[spmem:s15] =	stream.linear.scatter [tilespmem:s28], [sflag:$0x5], $0x1F40, $0x38;
	[tilespmem:$0x1CDE0] =	vst v63  }
0x32: {  	_ =	swait.ge [sflag:s29], $0x1F40  }
0x33: {  	[sflag:s29] =	ssyncset.done $0x0  }
0x34: {  	[sflag:s29] =	ssyncadd.s32 $0xFFFFE0C0  }
0x35: {  	[spmem:s16] =	stream.linear.scatter [tilespmem:s28], [sflag:$0x5], $0x1F40, $0x38;
	[tilespmem:$0x1CDE0] =	vst v63  }
0x36: {  	_ =	swait.ge [sflag:s29], $0x1F40  }
0x37: {  	[sflag:s29] =	ssyncset.done $0x0  }
0x38: {  	[sflag:s29] =	ssyncadd.s32 $0xFFFFE0C0  }
0x39: {  	[spmem:s17] =	stream.linear.scatter [tilespmem:s28], [sflag:$0x5], $0x1F40, $0x38;
	[tilespmem:$0x1CDE0] =	vst v63  }
0x3a: {  	_ =	swait.ge [sflag:s29], $0x1F40  }
0x3b: {  	[sflag:s29] =	ssyncset.done $0x0  }
0x3c: {  	s12 =	simm.s32 @!p0 $0x8F00;
	s13 =	rddreg [dreg:$0xe];
	[sflag:s29] =	ssyncadd.s32 $0xFFFFE0C0  }
0x3d: {  	[spmem:s13] =	stream.linear.scatter @!p0 [tilespmem:s12], [sflag:$0x5], $0x3E8, $0x38;
	[tilespmem:$0x1CDE0] =	vst v63  }
0x3e: {  	s12 =	simm.s32 @!p0 $0x5  }
0x3f: {  	_ =	swait.ge @!p0 [sflag:s12], $0x3E8  }
0x40: {  	[sflag:s12] =	ssyncset.done @!p0 $0x0  }
0x41: {  	s18 =	rddreg [dreg:$0x6];
	[sflag:s12] =	ssyncadd.s32 @!p0 $0xFFFFFC18  }
0x42: {  	[tilespmem:s31], [sflag:$0x5] =	stream.linear.gather [hbm4b:s18+s5], $0x80, $0x38;
	[tilespmem:$0x1CDE0] =	vst v63  }
0x43: {  	_ =	swait.ge [sflag:s29], $0x80  }
0x44: {  	[sflag:s29] =	ssyncset.done $0x0  }
0x45: {  	[sflag:s29] =	ssyncadd.s32 $0xFFFFFF80  }
0x46: {  	[tilespmem:s5], [sflag:$0x5] =	stream.linear.gather [hbm4b:s20+s5], $0x2800, $0x38;
	[tilespmem:$0x1CDE0] =	vst v63  }
0x47: {  	_ =	swait.ge [sflag:s29], $0x2800  }
0x48: {  	[sflag:s29] =	ssyncset.done $0x0  }
0x49: {  	s13 =	simm.s32 $0x2800;
	[sflag:s29] =	ssyncadd.s32 $0xFFFFD800  }
0x4a: {  	[tilespmem:s13], [sflag:$0x5] =	stream.linear.gather [hbm4b:s21+s5], $0x2800, $0x38;
	[tilespmem:$0x1CDE0] =	vst v63  }
0x4b: {  	s18 =	stileid.u32;
	_ =	swait.ge [sflag:s29], $0x2800  }
0x4c: {  	s12 =	sshll.u32 s18, $0x6;
	[sflag:s29] =	ssyncset.done $0x0  }
0x4d: {  	s12 =	sor.u32 $0x1C05, s12;
	[sflag:s29] =	ssyncadd.s32 $0xFFFFD800  }
0x4e: {  	[spmem:s26], [sflag:s12] =	dma.local [hbm:s23], $0x1388  }
0x4f: {  	_ =	swait.ge [sflag:s29], $0x1388  }
0x50: {  	[sflag:s29] =	ssyncset.done $0x0  }
0x51: {  	[sflag:s29] =	ssyncadd.s32 $0xFFFFEC78  }
0x52: {  	[bflag:$0x0] =	sbarrier.arrive $0xFFFF  }
0x53: {  	[tilespmem:s28], [sflag:$0x1] =	stream.indirect.gather [spmem:s4], $0x40, s5, s0, $0xb8;
	[tilespmem:$0x1CDE0] =	vst v63  }
0x54: {  	s13 =	simm.s32 $0x80  }
0x55: {  	[tilespmem:s2], [sflag:$0x2] =	stream.indirect.gather [spmem:s4], $0x40, s13, s0, $0xb8;
	[tilespmem:$0x1CDE0] =	vst v63  }
0x56: {  	_ =	swait.ge [sflag:s30], $0x1F40  }
0x57: {  	[sflag:s30] =	ssyncset.done $0x0  }
0x58: {  	s18 =	simm.s32 $0x2800;
	[sflag:s30] =	ssyncadd.s32 $0xFFFFE0C0  }
0x59: {  	[spmem:s1] =	stream.indirect.scatter.add.f32 [tilespmem:s28], [sflag:$0x3], $0x40, s18, s0, $0xb8;
	[tilespmem:$0x1CDE0] =	vst v63  }
0x5a: {  	_ = 	snop  }
0x5b: {  	[spmem:s3] =	stream.indirect.scatter.add.f32 [tilespmem:s31], [sflag:$0x3], $0x1, s18, s0, $0xb8;
	[tilespmem:$0x1CDE0] =	vst v63  }
0x5c: {  	_ =	swait.ge [sflag:s6], $0x1F40  }
0x5d: {  	[sflag:s6] =	ssyncset.done $0x0  }
0x5e: {  	[sflag:s6] =	ssyncadd.s32 $0xFFFFE0C0  }
0x5f: {  	_ =	swait.ge [sflag:s6], $0x7D  }
0x60: {  	[sflag:s6] =	ssyncset.done $0x0  }
0x61: {  	s13 =	simm.s32 $0x100;
	[sflag:s6] =	ssyncadd.s32 $0xFFFFFF83  }
0x62: {  	[tilespmem:s28], [sflag:$0x1] =	stream.indirect.gather [spmem:s4], $0x40, s13, s0, $0xb8;
	[tilespmem:$0x1CDE0] =	vst v63  }
0x63: {  	_ =	swait.ge [sflag:s7], $0x1F40  }
0x64: {  	[sflag:s7] =	ssyncset.done $0x0  }
0x65: {  	s18 =	simm.s32 $0x2880;
	[sflag:s7] =	ssyncadd.s32 $0xFFFFE0C0  }
0x66: {  	[spmem:s1] =	stream.indirect.scatter.add.f32 [tilespmem:s2], [sflag:$0x4], $0x40, s18, s0, $0xb8;
	[tilespmem:$0x1CDE0] =	vst v63  }
0x67: {  	_ = 	snop  }
0x68: {  	[spmem:s3] =	stream.indirect.scatter.add.f32 [tilespmem:s31], [sflag:$0x4], $0x1, s18, s0, $0xb8;
	[tilespmem:$0x1CDE0] =	vst v63  }
0x69: {  	_ =	swait.ge [sflag:s8], $0x1F40  }
0x6a: {  	[sflag:s8] =	ssyncset.done $0x0  }
0x6b: {  	[sflag:s8] =	ssyncadd.s32 $0xFFFFE0C0  }
0x6c: {  	_ =	swait.ge [sflag:s8], $0x7D  }
0x6d: {  	[sflag:s8] =	ssyncset.done $0x0  }
0x6e: {  	s12 =	simm.s32 $0x400;
	s13 =	simm.s32 $0x180;
	[sflag:s8] =	ssyncadd.s32 $0xFFFFFF83  }
.LBB2_2:
0x6f: {  	[tilespmem:s2], [sflag:$0x2] =	stream.indirect.gather [spmem:s4], $0x40, s13, s0, $0xb8;
	[tilespmem:$0x1CDE0] =	vst v63  }
0x70: {  	s13 =	smov.u32 s12  }
0x71: {  	p1 =	sne.s32 s12, $0x9800;
	s12 =	sadd.s32 $0x400, s12;
	_ =	swait.ge [sflag:s30], $0x1F40  }
0x72: {  	s13 =	sshra.s32 s13, $0x2;
	[sflag:s30] =	ssyncset.done $0x0  }
0x73: {  	s18 =	sadd.s32 $0x2800, s13;
	[sflag:s30] =	ssyncadd.s32 $0xFFFFE0C0  }
0x74: {  	[spmem:s1] =	stream.indirect.scatter.add.f32 [tilespmem:s28], [sflag:$0x3], $0x40, s18, s0, $0xb8;
	[tilespmem:$0x1CDE0] =	vst v63  }
0x75: {  	_ = 	snop  }
0x76: {  	[spmem:s3] =	stream.indirect.scatter.add.f32 [tilespmem:s31], [sflag:$0x3], $0x1, s18, s0, $0xb8;
	[tilespmem:$0x1CDE0] =	vst v63  }
0x77: {  	_ =	swait.ge [sflag:s6], $0x1F40  }
0x78: {  	[sflag:s6] =	ssyncset.done $0x0  }
0x79: {  	[sflag:s6] =	ssyncadd.s32 $0xFFFFE0C0  }
0x7a: {  	_ =	swait.ge [sflag:s6], $0x7D  }
0x7b: {  	[sflag:s6] =	ssyncset.done $0x0  }
0x7c: {  	s18 =	sadd.s32 $0x100, s13;
	[sflag:s6] =	ssyncadd.s32 $0xFFFFFF83  }
0x7d: {  	[tilespmem:s28], [sflag:$0x1] =	stream.indirect.gather [spmem:s4], $0x40, s18, s0, $0xb8;
	[tilespmem:$0x1CDE0] =	vst v63  }
0x7e: {  	_ =	swait.ge [sflag:s7], $0x1F40  }
0x7f: {  	[sflag:s7] =	ssyncset.done $0x0  }
0x80: {  	s18 =	sadd.s32 $0x2880, s13;
	[sflag:s7] =	ssyncadd.s32 $0xFFFFE0C0  }
0x81: {  	[spmem:s1] =	stream.indirect.scatter.add.f32 [tilespmem:s2], [sflag:$0x4], $0x40, s18, s0, $0xb8;
	[tilespmem:$0x1CDE0] =	vst v63  }
0x82: {  	_ = 	snop  }
0x83: {  	[spmem:s3] =	stream.indirect.scatter.add.f32 [tilespmem:s31], [sflag:$0x4], $0x1, s18, s0, $0xb8;
	[tilespmem:$0x1CDE0] =	vst v63  }
0x84: {  	_ =	swait.ge [sflag:s8], $0x1F40  }
.Ltmp0:
0x85: {  	[sflag:s8] =	ssyncset.done $0x0;
	(pc) =	sbr.rel @p1 .LBB2_2-.Ltmp0, $4  }
0x86: {  	[sflag:s8] =	ssyncadd.s32 $0xFFFFE0C0  }
0x87: {  	_ =	swait.ge [sflag:s8], $0x7D  }
0x88: {  	[sflag:s8] =	ssyncset.done $0x0  }
0x89: {  	s13 =	sadd.s32 $0x180, s13;
	[sflag:s8] =	ssyncadd.s32 $0xFFFFFF83  }
0x8a: {  	[tilespmem:s2], [sflag:$0x2] =	stream.indirect.gather [spmem:s4], $0x40, s13, s0, $0xb8;
	[tilespmem:$0x1CDE0] =	vst v63  }
0x8b: {  	_ =	swait.ge [sflag:s30], $0x1F40  }
0x8c: {  	[sflag:s30] =	ssyncset.done $0x0  }
0x8d: {  	[sflag:s30] =	ssyncadd.s32 $0xFFFFE0C0  }
0x8e: {  	[spmem:s1] =	stream.indirect.scatter.add.f32 [tilespmem:s28], [sflag:$0x3], $0x40, s9, s0, $0xb8;
	[tilespmem:$0x1CDE0] =	vst v63  }
0x8f: {  	_ = 	snop  }
0x90: {  	[spmem:s3] =	stream.indirect.scatter.add.f32 [tilespmem:s31], [sflag:$0x3], $0x1, s9, s0, $0xb8;
	[tilespmem:$0x1CDE0] =	vst v63  }
0x91: {  	_ =	swait.ge [sflag:s7], $0x1F40  }
0x92: {  	[sflag:s7] =	ssyncset.done $0x0  }
0x93: {  	[sflag:s7] =	ssyncadd.s32 $0xFFFFE0C0  }
0x94: {  	[spmem:s1] =	stream.indirect.scatter.add.f32 [tilespmem:s2], [sflag:$0x4], $0x40, s10, s0, $0xb8;
	[tilespmem:$0x1CDE0] =	vst v63  }
0x95: {  	_ = 	snop  }
0x96: {  	[spmem:s3] =	stream.indirect.scatter.add.f32 [tilespmem:s31], [sflag:$0x4], $0x1, s10, s0, $0xb8;
	[tilespmem:$0x1CDE0] =	vst v63  }
0x97: {  	_ =	swait.ge [sflag:s6], $0x1F40  }
0x98: {  	[sflag:s6] =	ssyncset.done $0x0  }
0x99: {  	[sflag:s6] =	ssyncadd.s32 $0xFFFFE0C0  }
0x9a: {  	_ =	swait.ge [sflag:s6], $0x7D  }
0x9b: {  	[sflag:s6] =	ssyncset.done $0x0  }
0x9c: {  	[sflag:s6] =	ssyncadd.s32 $0xFFFFFF83  }
0x9d: {  	_ =	swait.ge [sflag:s8], $0x1F40  }
0x9e: {  	[sflag:s8] =	ssyncset.done $0x0  }
0x9f: {  	[sflag:s8] =	ssyncadd.s32 $0xFFFFE0C0  }
0xa0: {  	_ =	swait.ge [sflag:s8], $0x7D  }
0xa1: {  	[sflag:s8] =	ssyncset.done $0x0  }
0xa2: {  	[sflag:s8] =	ssyncadd.s32 $0xFFFFFF83  }
0xa3: {  	[bflag:$0x0] =	sbarrier.arrive $0xFFFF  }
0xa4: {  	[tilespmem:s28], [sflag:$0x5] =	stream.linear.gather [spmem:s22], $0x1F40, $0x38;
	[tilespmem:$0x1CDE0] =	vst v63  }
0xa5: {  	_ =	swait.ge [sflag:s29], $0x1F40  }
0xa6: {  	[sflag:s29] =	ssyncset.done $0x0  }
0xa7: {  	s12 =	rddreg [dreg:$0x9];
	[sflag:s29] =	ssyncadd.s32 $0xFFFFE0C0  }
0xa8: {  	[hbm4b:s12+s5] =	stream.linear.scatter [tilespmem:s28], [sflag:$0x5], $0x1F40, $0x38;
	[tilespmem:$0x1CDE0] =	vst v63  }
0xa9: {  	_ =	swait.ge [sflag:s29], $0x1F40  }
0xaa: {  	[sflag:s29] =	ssyncset.done $0x0  }
0xab: {  	[sflag:s29] =	ssyncadd.s32 $0xFFFFE0C0  }
0xac: {  	[tilespmem:s28], [sflag:$0x5] =	stream.linear.gather [spmem:s14], $0x1F40, $0x38;
	[tilespmem:$0x1CDE0] =	vst v63  }
0xad: {  	_ =	swait.ge [sflag:s29], $0x1F40  }
0xae: {  	[sflag:s29] =	ssyncset.done $0x0  }
0xaf: {  	s13 =	rddreg [dreg:$0xa];
	[sflag:s29] =	ssyncadd.s32 $0xFFFFE0C0  }
0xb0: {  	[hbm4b:s13+s5] =	stream.linear.scatter [tilespmem:s28], [sflag:$0x5], $0x1F40, $0x38;
	[tilespmem:$0x1CDE0] =	vst v63  }
0xb1: {  	_ =	swait.ge [sflag:s29], $0x1F40  }
0xb2: {  	[sflag:s29] =	ssyncset.done $0x0  }
0xb3: {  	[sflag:s29] =	ssyncadd.s32 $0xFFFFE0C0  }
0xb4: {  	[tilespmem:s28], [sflag:$0x5] =	stream.linear.gather [spmem:s15], $0x1F40, $0x38;
	[tilespmem:$0x1CDE0] =	vst v63  }
0xb5: {  	_ =	swait.ge [sflag:s29], $0x1F40  }
0xb6: {  	[sflag:s29] =	ssyncset.done $0x0  }
0xb7: {  	s18 =	rddreg [dreg:$0xb];
	[sflag:s29] =	ssyncadd.s32 $0xFFFFE0C0  }
0xb8: {  	[hbm4b:s18+s5] =	stream.linear.scatter [tilespmem:s28], [sflag:$0x5], $0x1F40, $0x38;
	[tilespmem:$0x1CDE0] =	vst v63  }
0xb9: {  	_ =	swait.ge [sflag:s29], $0x1F40  }
0xba: {  	[sflag:s29] =	ssyncset.done $0x0  }
0xbb: {  	[sflag:s29] =	ssyncadd.s32 $0xFFFFE0C0  }
0xbc: {  	[tilespmem:s28], [sflag:$0x5] =	stream.linear.gather [spmem:s16], $0x1F40, $0x38;
	[tilespmem:$0x1CDE0] =	vst v63  }
0xbd: {  	_ =	swait.ge [sflag:s29], $0x1F40  }
0xbe: {  	[sflag:s29] =	ssyncset.done $0x0  }
0xbf: {  	s13 =	rddreg [dreg:$0xc];
	[sflag:s29] =	ssyncadd.s32 $0xFFFFE0C0  }
0xc0: {  	[hbm4b:s13+s5] =	stream.linear.scatter [tilespmem:s28], [sflag:$0x5], $0x1F40, $0x38;
	[tilespmem:$0x1CDE0] =	vst v63  }
0xc1: {  	_ =	swait.ge [sflag:s29], $0x1F40  }
0xc2: {  	[sflag:s29] =	ssyncset.done $0x0  }
0xc3: {  	[sflag:s29] =	ssyncadd.s32 $0xFFFFE0C0  }
0xc4: {  	[tilespmem:s28], [sflag:$0x5] =	stream.linear.gather [spmem:s17], $0x1F40, $0x38;
	[tilespmem:$0x1CDE0] =	vst v63  }
0xc5: {  	_ =	swait.ge [sflag:s29], $0x1F40  }
0xc6: {  	[sflag:s29] =	ssyncset.done $0x0  }
0xc7: {  	s18 =	rddreg [dreg:$0xd];
	[sflag:s29] =	ssyncadd.s32 $0xFFFFE0C0  }
0xc8: {  	[hbm4b:s18+s5] =	stream.linear.scatter [tilespmem:s28], [sflag:$0x5], $0x1F40, $0x38;
	[tilespmem:$0x1CDE0] =	vst v63  }
0xc9: {  	_ =	swait.ge [sflag:s29], $0x1F40  }
0xca: {  	[sflag:s29] =	ssyncset.done $0x0  }
0xcb: {  	s12 =	simm.s32 @!p0 $0x8F00;
	s13 =	simm.s32 @!p0 $0x5;
	[sflag:s29] =	ssyncadd.s32 $0xFFFFE0C0  }
0xcc: {  	[tilespmem:s12], [sflag:$0x5] =	stream.linear.gather @!p0 [spmem:s24], $0x3E8, $0x38;
	[tilespmem:$0x1CDE0] =	vst v63  }
0xcd: {  	s11 =	sadd.s32 $0x1, s11;
	_ =	swait.ge @!p0 [sflag:s13], $0x3E8  }
0xce: {  	p1 =	sne.s32 s11, s25;
	[sflag:s13] =	ssyncset.done @!p0 $0x0  }
.Ltmp1:
0xcf: {  	s18 =	simm.s32 @!p0 $0x0;
	[sflag:s13] =	ssyncadd.s32 @!p0 $0xFFFFFC18;
	(pc) =	sbr.rel @p1 .LBB2_1-.Ltmp1, $4  }
0xd0: {  	[hbm4b:s19+s18] =	stream.linear.scatter @!p0 [tilespmem:s12], [sflag:$0x5], $0x3E8, $0x38;
	[tilespmem:$0x1CDE0] =	vst v63  }
0xd1: {  	_ =	swait.ge @!p0 [sflag:s13], $0x3E8  }
0xd2: {  	[sflag:s13] =	ssyncset.done @!p0 $0x0  }
0xd3: {  	[sflag:s13] =	ssyncadd.s32 @!p0 $0xFFFFFC18  }
0xd4: {  	_ =	sfence.sel $0x180000  }
0xd5: {  	[bflag:$0x0] =	sbarrier.arrive $0xFFFF  }
0xd6: {  	_ =	strace $0x90000047  }
0xd7: {  	s0 =	stileid.u32;
	[bflag:$0x2] =	sbarrier.arrive $0xFFFF  }
0xd8: {  	p0 =	sne.s32 s0, $0x0;
	s0 =	rddreg [dreg:$0x5]  }
0xd9: {  	s0 =	sadd.s32 @!p0 $0x100000, s0  }
0xda: {  	[sflag:s0] =	ssyncadd.tile.s32 @!p0 $0x1;
	_ =	shalt  }
.Lfunc_end2:
_tile_overlayer_lowered:
.L_overlay_start_2:
0xdb: {  	(tag) =	ssettag $0x2  }
0xdc: {  	s0 =	rddreg [dreg:$0x0];
	s2 =	stileid.u32  }
0xdd: {  	s1 =	rddreg [dreg:$0x1];
	p0 =	sne.s32 s2, $0x0  }
0xde: {  	s3 =	rddreg [dreg:$0x2];
	[bflag:$0x3] =	sbarrier.arrive $0xFFFF;
	s2 =	simm.s32 @!p0 $0x1C05  }
0xdf: {  	[timem:s3], [sflag:s2] =	dma.local @!p0 [hbm:s0], s1  }
0xe0: {  	s0 =	simm.s32 @!p0 $0x5  }
0xe1: {  	_ =	swait.ge @!p0 [sflag:s0], s1  }
0xe2: {  	s1 =	ssub.s32 @!p0 $0x0, s1;
	[sflag:s0] =	ssyncset.done @!p0 $0x0  }
0xe3: {  	[sflag:s0] =	ssyncadd.s32 @!p0 s1  }
0xe4: {  	[bflag:$0x3] =	sbarrier.arrive $0xFFFF  }
0xe5: {  	_ =	shalt  }

</sc_bundles>
